<compile_context>
chip_gen: v7x
topology: tpu7x:2x2x1
jax: 0.10.2.dev20260603
libtpu: 0.0.44.dev20260713+nightly
codegen_flags: <defaults>
</compile_context>

<pallas_src>
import functools

import jax
import jax.numpy as jnp
import numpy as np
from jax import lax
from jax.experimental import pallas as pl
from jax.experimental.pallas import tpu as pltpu
from jax.experimental.pallas import tpu_sc as plsc

_EMBED_DIM = 128
_BATCH = 16384
_NUM_FIELDS = 26
_FIELD_DIM = 1000

_NC = 2
_NS = 16
_NW = _NC * _NS
_TOTAL = _BATCH * _NUM_FIELDS
_BATCH_W = _BATCH // _NW
_BLK = 64
_BPF = _BATCH_W // _BLK


def _body(x_hbm, w_hbm, out_hbm, xt_v, spA, spB, rows0, rows1, rows2, rows3,
          rows4, rows5, rows6, rows7, gsem, wsem, csem):
    c = lax.axis_index("c")
    s = lax.axis_index("s")
    wid = s * _NC + c
    b0 = wid * _BATCH_W
    rows = (rows0, rows1, rows2, rows3, rows4, rows5, rows6, rows7)
    sps = (spA, spB)

    pltpu.sync_copy(x_hbm.at[:, pl.ds(b0, _BATCH_W)], xt_v)

    def fld(i):
        return lax.rem(i + c * (_NUM_FIELDS // 2), _NUM_FIELDS)

    def idx_at(f, j):
        return xt_v.at[f, pl.ds(j * _BLK, _BLK)]

    def gather(sp, f, j, buf):
        pltpu.async_copy(sp.at[idx_at(f, j)], buf, gsem)

    def out_at(f, j):
        return out_hbm.at[pl.ds(f * _BATCH + b0 + j * _BLK, _BLK)]

    def prefetch(i, sp):
        pltpu.async_copy(
            w_hbm.at[pl.ds(fld(i) * _FIELD_DIM, _FIELD_DIM)], sp, csem)

    @pl.when(s == 0)
    def _():
        prefetch(0, sps[0])

    def field_body(i, parity, k):
        sp = sps[parity]
        f = fld(i)

        @pl.when(s == 0)
        def _():
            pltpu.make_async_copy(
                w_hbm.at[pl.ds(0, _FIELD_DIM)], sp, csem).wait()

        plsc.subcore_barrier()

        fprev = fld(i - 1)
        for j in range(_BPF):
            drain = pltpu.make_async_copy(rows[j], out_at(fprev, j), wsem)
            if parity == 0:

                @pl.when(k >= 1)
                def _():
                    drain.wait()

            else:
                drain.wait()
            gather(sp, f, j, rows[j])

        nxt = sps[(parity + 1) % 2]
        if parity == 0:

            @pl.when(s == 0)
            def _():
                prefetch(i + 1, nxt)

        else:

            @pl.when(jnp.logical_and(s == 0, k < _NUM_FIELDS // 2 - 1))
            def _():
                prefetch(i + 1, nxt)

        for j in range(_BPF):
            pltpu.make_async_copy(sp.at[idx_at(f, j)], rows[j], gsem).wait()
            pltpu.async_copy(rows[j], out_at(f, j), wsem)

    def step(k, carry):
        field_body(2 * k, 0, k)
        field_body(2 * k + 1, 1, k)
        return carry

    lax.fori_loop(0, _NUM_FIELDS // 2, step, 0)

    lastf = fld(_NUM_FIELDS - 1)
    for j in range(_BPF):
        pltpu.make_async_copy(rows[j], out_at(lastf, j), wsem).wait()


@jax.jit
def kernel(x, weight):
    xt = x.T
    mesh = plsc.VectorSubcoreMesh(core_axis_name="c", subcore_axis_name="s")
    out = pl.kernel(
        _body,
        out_type=jax.ShapeDtypeStruct((_TOTAL, _EMBED_DIM), jnp.float32),
        mesh=mesh,
        scratch_types=[
            pltpu.VMEM((_NUM_FIELDS, _BATCH_W), jnp.int32),
            pltpu.VMEM_SHARED((_FIELD_DIM, _EMBED_DIM), jnp.float32),
            pltpu.VMEM_SHARED((_FIELD_DIM, _EMBED_DIM), jnp.float32),
            pltpu.VMEM((_BLK, _EMBED_DIM), jnp.float32),
            pltpu.VMEM((_BLK, _EMBED_DIM), jnp.float32),
            pltpu.VMEM((_BLK, _EMBED_DIM), jnp.float32),
            pltpu.VMEM((_BLK, _EMBED_DIM), jnp.float32),
            pltpu.VMEM((_BLK, _EMBED_DIM), jnp.float32),
            pltpu.VMEM((_BLK, _EMBED_DIM), jnp.float32),
            pltpu.VMEM((_BLK, _EMBED_DIM), jnp.float32),
            pltpu.VMEM((_BLK, _EMBED_DIM), jnp.float32),
            pltpu.SemaphoreType.DMA,
            pltpu.SemaphoreType.DMA,
            pltpu.SemaphoreType.DMA,
        ],
    )(xt, weight)
    return out.reshape(_NUM_FIELDS, _BATCH, _EMBED_DIM).transpose(1, 0, 2)

# --- scband reference (transcript-rebuilt; emitter-appended) ---
"""Pipeline reference for scband-features-embedding-15994458211208 (READ-ONLY COPY).

The authoritative reference and input builder live on the scoring server;
editing this copy changes nothing except your own understanding.
"""

import jax, jax.numpy as jnp
import numpy as np

FIELD_DIMS = [1000] * 26
EMBED_DIM = 128
BATCH = 16384
NUM_EMB = sum(FIELD_DIMS)
OFFSETS = np.array((0, *np.cumsum(FIELD_DIMS)[:-1]), dtype=np.int32)


def setup_inputs(seed: int = 0) -> dict:
    key = jax.random.key(seed)
    k1, k2 = jax.random.split(key)
    # indices per field, each in [0, field_dim) -- all field dims are 1000 here
    x = jax.random.randint(k1, (BATCH, len(FIELD_DIMS)), 0, 1000, dtype=jnp.int32)
    # xavier_uniform init for embedding table of shape [NUM_EMB, EMBED_DIM]
    bound = float(np.sqrt(6.0 / (NUM_EMB + EMBED_DIM)))
    weight = jax.random.uniform(k2, (NUM_EMB, EMBED_DIM), dtype=jnp.float32, minval=-bound, maxval=bound)
    return {"x": x, "weight": weight}


def reference(x, weight):
    # x: int32[B, F]; add per-field offsets then gather rows from the fused table
    offsets = jnp.asarray(OFFSETS, dtype=x.dtype)
    idx = x + offsets[None, :]
    return jnp.take(weight, idx, axis=0)  # [B, F, EMBED_DIM]

if __name__ == "__main__":
    import jax
    _d = setup_inputs()
    print(jax.jit(kernel)(*tuple(_d.values())))

</pallas_src>

<mosaic_0001>
#map = affine_map<(d0, d1) -> (0, 0)>
module attributes {stable_mosaic.version = 14 : i64} {
  func.func @_body(%arg0: i32, %arg1: i32, %arg2: memref<26x16384xi32, #tpu.memory_space<hbm>>, %arg3: memref<26000x128xf32, #tpu.memory_space<hbm>>, %arg4: memref<425984x128xf32, #tpu.memory_space<hbm>>, %arg5: memref<26x512xi32, #tpu.memory_space<vmem>>, %arg6: memref<1000x128xf32, #tpu.memory_space<vmem_shared>>, %arg7: memref<1000x128xf32, #tpu.memory_space<vmem_shared>>, %arg8: memref<64x128xf32, #tpu.memory_space<vmem>>, %arg9: memref<64x128xf32, #tpu.memory_space<vmem>>, %arg10: memref<64x128xf32, #tpu.memory_space<vmem>>, %arg11: memref<64x128xf32, #tpu.memory_space<vmem>>, %arg12: memref<64x128xf32, #tpu.memory_space<vmem>>, %arg13: memref<64x128xf32, #tpu.memory_space<vmem>>, %arg14: memref<64x128xf32, #tpu.memory_space<vmem>>, %arg15: memref<64x128xf32, #tpu.memory_space<vmem>>, %arg16: memref<!tpu.dma_semaphore, #tpu.memory_space<semaphore_mem>>, %arg17: memref<!tpu.dma_semaphore, #tpu.memory_space<semaphore_mem>>, %arg18: memref<!tpu.dma_semaphore, #tpu.memory_space<semaphore_mem>>) attributes {dimension_semantics = [#tpu.dimension_semantics<core_parallel>, #tpu.dimension_semantics<subcore_parallel>], iteration_bounds = array<i64: 2, 16>, scalar_prefetch = 0 : i64, scratch_operands = 14 : i64, tpu.core_type = #tpu.core_type<sc_vector_subcore>, window_params = [{transform_indices = #map}, {transform_indices = #map}, {transform_indices = #map}]} {
    %mul3A = arith.constant 2 : i32
    %mul3A_0 = arith.muli %arg1, %mul3A : i32
    %add3A = arith.addi %mul3A_0, %arg0 : i32
    %mul3A_1 = arith.constant 512 : i32
    %mul3A_2 = arith.muli %add3A, %mul3A_1 : i32
    "tpu.region"() ({
      %run_scoped3A = tpu.sem_alloc : memref<!tpu.dma_semaphore, #tpu.memory_space<semaphore_mem>>
      %dma_start3A = arith.constant 0 : i32
      %dma_start3A_86 = tpu.memref_slice %arg2[%dma_start3A, %mul3A_2] : memref<26x16384xi32, #tpu.memory_space<hbm>> -> memref<26x512xi32, #tpu.memory_space<hbm>>
      %dma_start3A_87 = arith.constant 0 : i32
      %dma_start3A_88 = tpu.memref_slice %arg2[%dma_start3A_87, %mul3A_2] : memref<26x16384xi32, #tpu.memory_space<hbm>> -> memref<26x512xi32, #tpu.memory_space<hbm>>
      tpu.enqueue_dma source(%dma_start3A_88 : memref<26x512xi32, #tpu.memory_space<hbm>>) target(%arg5 : memref<26x512xi32, #tpu.memory_space<vmem>>) target_semaphore(%run_scoped3A : memref<!tpu.dma_semaphore, #tpu.memory_space<semaphore_mem>>)
      %dma_wait3A_89 = arith.constant 0 : i32
      %dma_wait3A_90 = tpu.memref_slice %arg2[%dma_wait3A_89, %mul3A_2] : memref<26x16384xi32, #tpu.memory_space<hbm>> -> memref<26x512xi32, #tpu.memory_space<hbm>>
      %dma_wait3A_91 = arith.constant 0 : i32
      %dma_wait3A_92 = tpu.memref_slice %arg2[%dma_wait3A_91, %mul3A_2] : memref<26x16384xi32, #tpu.memory_space<hbm>> -> memref<26x512xi32, #tpu.memory_space<hbm>>
      tpu.wait_dma2 semaphore(%run_scoped3A : memref<!tpu.dma_semaphore, #tpu.memory_space<semaphore_mem>>) src(%dma_wait3A_92 : memref<26x512xi32, #tpu.memory_space<hbm>>) dst(%arg5 : memref<26x512xi32, #tpu.memory_space<vmem>>)
      tpu.yield
    }) : () -> ()
    %eq3A = arith.constant 0 : i32
    %eq3A_3 = arith.cmpi eq, %arg1, %eq3A : i32
    %convert_element_type3A = arith.extui %eq3A_3 : i1 to i32
    %cond3A = arith.constant 0 : i32
    %cond3A_4 = arith.cmpi ne, %convert_element_type3A, %cond3A : i32
    scf.if %cond3A_4 {
      %mul3A_86 = arith.constant 13 : i32
      %mul3A_87 = arith.muli %arg0, %mul3A_86 : i32
      %add3A_88 = arith.constant 0 : i32
      %add3A_89 = arith.addi %add3A_88, %mul3A_87 : i32
      %rem3A_90 = arith.constant 26 : i32
      %rem3A_91 = arith.remsi %add3A_89, %rem3A_90 : i32
      %mul3A_92 = arith.constant 1000 : i32
      %mul3A_93 = arith.muli %rem3A_91, %mul3A_92 : i32
      %dma_start3A = arith.constant 0 : i32
      %dma_start3A_94 = tpu.memref_slice %arg3[%mul3A_93, %dma_start3A] : memref<26000x128xf32, #tpu.memory_space<hbm>> -> memref<1000x128xf32, #tpu.memory_space<hbm>>
      tpu.enqueue_dma source(%dma_start3A_94 : memref<1000x128xf32, #tpu.memory_space<hbm>>) target(%arg6 : memref<1000x128xf32, #tpu.memory_space<vmem_shared>>) target_semaphore(%arg18 : memref<!tpu.dma_semaphore, #tpu.memory_space<semaphore_mem>>)
    } else {
    }
    %scan3A = arith.constant 0 : i32
    %scan3A_5 = arith.constant 0 : i32
    %scan3A_6 = arith.constant 13 : i32
    %scan3A_7 = arith.addi %scan3A_5, %scan3A_6 : i32
    %scan3A_8 = arith.constant 1 : i32
    scf.for %scan3A_86 = %scan3A_5 to %scan3A_7 step %scan3A_8  : i32 {
      %mul3A_87 = arith.constant 2 : i32
      %mul3A_88 = arith.muli %mul3A_87, %scan3A_86 : i32
      %mul3A_89 = arith.constant 13 : i32
      %mul3A_90 = arith.muli %arg0, %mul3A_89 : i32
      %add3A_91 = arith.addi %mul3A_88, %mul3A_90 : i32
      %rem3A_92 = arith.constant 26 : i32
      %rem3A_93 = arith.remsi %add3A_91, %rem3A_92 : i32
      %eq3A_94 = arith.constant 0 : i32
      %eq3A_95 = arith.cmpi eq, %arg1, %eq3A_94 : i32
      %convert_element_type3A_96 = arith.extui %eq3A_95 : i1 to i32
      %cond3A_97 = arith.constant 0 : i32
      %cond3A_98 = arith.cmpi ne, %convert_element_type3A_96, %cond3A_97 : i32
      scf.if %cond3A_98 {
        %dma_wait3A_624 = arith.constant 0 : i32
        %dma_wait3A_625 = arith.constant 0 : i32
        %dma_wait3A_626 = tpu.memref_slice %arg3[%dma_wait3A_624, %dma_wait3A_625] : memref<26000x128xf32, #tpu.memory_space<hbm>> -> memref<1000x128xf32, #tpu.memory_space<hbm>>
        tpu.wait_dma2 semaphore(%arg18 : memref<!tpu.dma_semaphore, #tpu.memory_space<semaphore_mem>>) src(%dma_wait3A_626 : memref<1000x128xf32, #tpu.memory_space<hbm>>) dst(%arg6 : memref<1000x128xf32, #tpu.memory_space<vmem_shared>>)
      } else {
      }
      %barrier3A = arith.constant 0 : index
      tpu.barrier barrier_id(%barrier3A)
      %sub3A = arith.constant 1 : i32
      %sub3A_99 = arith.subi %mul3A_88, %sub3A : i32
      %mul3A_100 = arith.constant 13 : i32
      %mul3A_101 = arith.muli %arg0, %mul3A_100 : i32
      %add3A_102 = arith.addi %sub3A_99, %mul3A_101 : i32
      %rem3A_103 = arith.constant 26 : i32
      %rem3A_104 = arith.remsi %add3A_102, %rem3A_103 : i32
      %mul3A_105 = arith.constant 16384 : i32
      %mul3A_106 = arith.muli %rem3A_104, %mul3A_105 : i32
      %add3A_107 = arith.addi %mul3A_106, %mul3A_2 : i32
      %add3A_108 = arith.constant 0 : i32
      %add3A_109 = arith.addi %add3A_107, %add3A_108 : i32
      %ge3A = arith.constant 1 : i32
      %ge3A_110 = arith.cmpi sge, %scan3A_86, %ge3A : i32
      %convert_element_type3A_111 = arith.extui %ge3A_110 : i1 to i32
      %cond3A_112 = arith.constant 0 : i32
      %cond3A_113 = arith.cmpi ne, %convert_element_type3A_111, %cond3A_112 : i32
      scf.if %cond3A_113 {
        %dma_wait3A_624 = arith.constant 0 : i32
        %dma_wait3A_625 = tpu.memref_slice %arg4[%add3A_109, %dma_wait3A_624] : memref<425984x128xf32, #tpu.memory_space<hbm>> -> memref<64x128xf32, #tpu.memory_space<hbm>>
        %dma_wait3A_626 = arith.constant 0 : i32
        %dma_wait3A_627 = tpu.memref_slice %arg4[%add3A_109, %dma_wait3A_626] : memref<425984x128xf32, #tpu.memory_space<hbm>> -> memref<64x128xf32, #tpu.memory_space<hbm>>
        tpu.wait_dma2 semaphore(%arg17 : memref<!tpu.dma_semaphore, #tpu.memory_space<semaphore_mem>>) src(%arg8 : memref<64x128xf32, #tpu.memory_space<vmem>>) dst(%dma_wait3A_627 : memref<64x128xf32, #tpu.memory_space<hbm>>)
      } else {
      }
      %dma_start3A = arith.constant 0 : i32
      %dma_start3A_114 = tpu.memref_slice %arg5[%rem3A_93, %dma_start3A] : memref<26x512xi32, #tpu.memory_space<vmem>> -> memref<1x64xi32, #tpu.memory_space<vmem>>
      %dma_start3A_115 = tpu.memref_squeeze %dma_start3A_114 : memref<1x64xi32, #tpu.memory_space<vmem>> -> memref<64xi32, #tpu.memory_space<vmem>>
      %dma_start3A_116 = arith.constant 0 : i32
      %dma_start3A_117 = arith.constant 0 : i32
      %dma_start3A_118 = tpu.memref_slice %arg6[%dma_start3A_116, %dma_start3A_117] : memref<1000x128xf32, #tpu.memory_space<vmem_shared>> -> memref<1000x128xf32, #tpu.memory_space<vmem_shared>>
      tpu.enqueue_indirect_dma source(%dma_start3A_118 : memref<1000x128xf32, #tpu.memory_space<vmem_shared>>) target(%arg8 : memref<64x128xf32, #tpu.memory_space<vmem>>) offsets(%dma_start3A_115 : memref<64xi32, #tpu.memory_space<vmem>>) semaphore(%arg16 : memref<!tpu.dma_semaphore, #tpu.memory_space<semaphore_mem>>)
      %mul3A_119 = arith.constant 16384 : i32
      %mul3A_120 = arith.muli %rem3A_104, %mul3A_119 : i32
      %add3A_121 = arith.addi %mul3A_120, %mul3A_2 : i32
      %add3A_122 = arith.constant 64 : i32
      %add3A_123 = arith.addi %add3A_121, %add3A_122 : i32
      %ge3A_124 = arith.constant 1 : i32
      %ge3A_125 = arith.cmpi sge, %scan3A_86, %ge3A_124 : i32
      %convert_element_type3A_126 = arith.extui %ge3A_125 : i1 to i32
      %cond3A_127 = arith.constant 0 : i32
      %cond3A_128 = arith.cmpi ne, %convert_element_type3A_126, %cond3A_127 : i32
      scf.if %cond3A_128 {
        %dma_wait3A_624 = arith.constant 0 : i32
        %dma_wait3A_625 = tpu.memref_slice %arg4[%add3A_123, %dma_wait3A_624] : memref<425984x128xf32, #tpu.memory_space<hbm>> -> memref<64x128xf32, #tpu.memory_space<hbm>>
        %dma_wait3A_626 = arith.constant 0 : i32
        %dma_wait3A_627 = tpu.memref_slice %arg4[%add3A_123, %dma_wait3A_626] : memref<425984x128xf32, #tpu.memory_space<hbm>> -> memref<64x128xf32, #tpu.memory_space<hbm>>
        tpu.wait_dma2 semaphore(%arg17 : memref<!tpu.dma_semaphore, #tpu.memory_space<semaphore_mem>>) src(%arg9 : memref<64x128xf32, #tpu.memory_space<vmem>>) dst(%dma_wait3A_627 : memref<64x128xf32, #tpu.memory_space<hbm>>)
      } else {
      }
      %dma_start3A_129 = arith.constant 64 : i32
      %dma_start3A_130 = tpu.memref_slice %arg5[%rem3A_93, %dma_start3A_129] : memref<26x512xi32, #tpu.memory_space<vmem>> -> memref<1x64xi32, #tpu.memory_space<vmem>>
      %dma_start3A_131 = tpu.memref_squeeze %dma_start3A_130 : memref<1x64xi32, #tpu.memory_space<vmem>> -> memref<64xi32, #tpu.memory_space<vmem>>
      %dma_start3A_132 = arith.constant 0 : i32
      %dma_start3A_133 = arith.constant 0 : i32
      %dma_start3A_134 = tpu.memref_slice %arg6[%dma_start3A_132, %dma_start3A_133] : memref<1000x128xf32, #tpu.memory_space<vmem_shared>> -> memref<1000x128xf32, #tpu.memory_space<vmem_shared>>
      tpu.enqueue_indirect_dma source(%dma_start3A_134 : memref<1000x128xf32, #tpu.memory_space<vmem_shared>>) target(%arg9 : memref<64x128xf32, #tpu.memory_space<vmem>>) offsets(%dma_start3A_131 : memref<64xi32, #tpu.memory_space<vmem>>) semaphore(%arg16 : memref<!tpu.dma_semaphore, #tpu.memory_space<semaphore_mem>>)
      %mul3A_135 = arith.constant 16384 : i32
      %mul3A_136 = arith.muli %rem3A_104, %mul3A_135 : i32
      %add3A_137 = arith.addi %mul3A_136, %mul3A_2 : i32
      %add3A_138 = arith.constant 128 : i32
      %add3A_139 = arith.addi %add3A_137, %add3A_138 : i32
      %ge3A_140 = arith.constant 1 : i32
      %ge3A_141 = arith.cmpi sge, %scan3A_86, %ge3A_140 : i32
      %convert_element_type3A_142 = arith.extui %ge3A_141 : i1 to i32
      %cond3A_143 = arith.constant 0 : i32
      %cond3A_144 = arith.cmpi ne, %convert_element_type3A_142, %cond3A_143 : i32
      scf.if %cond3A_144 {
        %dma_wait3A_624 = arith.constant 0 : i32
        %dma_wait3A_625 = tpu.memref_slice %arg4[%add3A_139, %dma_wait3A_624] : memref<425984x128xf32, #tpu.memory_space<hbm>> -> memref<64x128xf32, #tpu.memory_space<hbm>>
        %dma_wait3A_626 = arith.constant 0 : i32
        %dma_wait3A_627 = tpu.memref_slice %arg4[%add3A_139, %dma_wait3A_626] : memref<425984x128xf32, #tpu.memory_space<hbm>> -> memref<64x128xf32, #tpu.memory_space<hbm>>
        tpu.wait_dma2 semaphore(%arg17 : memref<!tpu.dma_semaphore, #tpu.memory_space<semaphore_mem>>) src(%arg10 : memref<64x128xf32, #tpu.memory_space<vmem>>) dst(%dma_wait3A_627 : memref<64x128xf32, #tpu.memory_space<hbm>>)
      } else {
      }
      %dma_start3A_145 = arith.constant 128 : i32
      %dma_start3A_146 = tpu.memref_slice %arg5[%rem3A_93, %dma_start3A_145] : memref<26x512xi32, #tpu.memory_space<vmem>> -> memref<1x64xi32, #tpu.memory_space<vmem>>
      %dma_start3A_147 = tpu.memref_squeeze %dma_start3A_146 : memref<1x64xi32, #tpu.memory_space<vmem>> -> memref<64xi32, #tpu.memory_space<vmem>>
      %dma_start3A_148 = arith.constant 0 : i32
      %dma_start3A_149 = arith.constant 0 : i32
      %dma_start3A_150 = tpu.memref_slice %arg6[%dma_start3A_148, %dma_start3A_149] : memref<1000x128xf32, #tpu.memory_space<vmem_shared>> -> memref<1000x128xf32, #tpu.memory_space<vmem_shared>>
      tpu.enqueue_indirect_dma source(%dma_start3A_150 : memref<1000x128xf32, #tpu.memory_space<vmem_shared>>) target(%arg10 : memref<64x128xf32, #tpu.memory_space<vmem>>) offsets(%dma_start3A_147 : memref<64xi32, #tpu.memory_space<vmem>>) semaphore(%arg16 : memref<!tpu.dma_semaphore, #tpu.memory_space<semaphore_mem>>)
      %mul3A_151 = arith.constant 16384 : i32
      %mul3A_152 = arith.muli %rem3A_104, %mul3A_151 : i32
      %add3A_153 = arith.addi %mul3A_152, %mul3A_2 : i32
      %add3A_154 = arith.constant 192 : i32
      %add3A_155 = arith.addi %add3A_153, %add3A_154 : i32
      %ge3A_156 = arith.constant 1 : i32
      %ge3A_157 = arith.cmpi sge, %scan3A_86, %ge3A_156 : i32
      %convert_element_type3A_158 = arith.extui %ge3A_157 : i1 to i32
      %cond3A_159 = arith.constant 0 : i32
      %cond3A_160 = arith.cmpi ne, %convert_element_type3A_158, %cond3A_159 : i32
      scf.if %cond3A_160 {
        %dma_wait3A_624 = arith.constant 0 : i32
        %dma_wait3A_625 = tpu.memref_slice %arg4[%add3A_155, %dma_wait3A_624] : memref<425984x128xf32, #tpu.memory_space<hbm>> -> memref<64x128xf32, #tpu.memory_space<hbm>>
        %dma_wait3A_626 = arith.constant 0 : i32
        %dma_wait3A_627 = tpu.memref_slice %arg4[%add3A_155, %dma_wait3A_626] : memref<425984x128xf32, #tpu.memory_space<hbm>> -> memref<64x128xf32, #tpu.memory_space<hbm>>
        tpu.wait_dma2 semaphore(%arg17 : memref<!tpu.dma_semaphore, #tpu.memory_space<semaphore_mem>>) src(%arg11 : memref<64x128xf32, #tpu.memory_space<vmem>>) dst(%dma_wait3A_627 : memref<64x128xf32, #tpu.memory_space<hbm>>)
      } else {
      }
      %dma_start3A_161 = arith.constant 192 : i32
      %dma_start3A_162 = tpu.memref_slice %arg5[%rem3A_93, %dma_start3A_161] : memref<26x512xi32, #tpu.memory_space<vmem>> -> memref<1x64xi32, #tpu.memory_space<vmem>>
      %dma_start3A_163 = tpu.memref_squeeze %dma_start3A_162 : memref<1x64xi32, #tpu.memory_space<vmem>> -> memref<64xi32, #tpu.memory_space<vmem>>
      %dma_start3A_164 = arith.constant 0 : i32
      %dma_start3A_165 = arith.constant 0 : i32
      %dma_start3A_166 = tpu.memref_slice %arg6[%dma_start3A_164, %dma_start3A_165] : memref<1000x128xf32, #tpu.memory_space<vmem_shared>> -> memref<1000x128xf32, #tpu.memory_space<vmem_shared>>
      tpu.enqueue_indirect_dma source(%dma_start3A_166 : memref<1000x128xf32, #tpu.memory_space<vmem_shared>>) target(%arg11 : memref<64x128xf32, #tpu.memory_space<vmem>>) offsets(%dma_start3A_163 : memref<64xi32, #tpu.memory_space<vmem>>) semaphore(%arg16 : memref<!tpu.dma_semaphore, #tpu.memory_space<semaphore_mem>>)
      %mul3A_167 = arith.constant 16384 : i32
      %mul3A_168 = arith.muli %rem3A_104, %mul3A_167 : i32
      %add3A_169 = arith.addi %mul3A_168, %mul3A_2 : i32
      %add3A_170 = arith.constant 256 : i32
      %add3A_171 = arith.addi %add3A_169, %add3A_170 : i32
      %ge3A_172 = arith.constant 1 : i32
      %ge3A_173 = arith.cmpi sge, %scan3A_86, %ge3A_172 : i32
      %convert_element_type3A_174 = arith.extui %ge3A_173 : i1 to i32
      %cond3A_175 = arith.constant 0 : i32
      %cond3A_176 = arith.cmpi ne, %convert_element_type3A_174, %cond3A_175 : i32
      scf.if %cond3A_176 {
        %dma_wait3A_624 = arith.constant 0 : i32
        %dma_wait3A_625 = tpu.memref_slice %arg4[%add3A_171, %dma_wait3A_624] : memref<425984x128xf32, #tpu.memory_space<hbm>> -> memref<64x128xf32, #tpu.memory_space<hbm>>
        %dma_wait3A_626 = arith.constant 0 : i32
        %dma_wait3A_627 = tpu.memref_slice %arg4[%add3A_171, %dma_wait3A_626] : memref<425984x128xf32, #tpu.memory_space<hbm>> -> memref<64x128xf32, #tpu.memory_space<hbm>>
        tpu.wait_dma2 semaphore(%arg17 : memref<!tpu.dma_semaphore, #tpu.memory_space<semaphore_mem>>) src(%arg12 : memref<64x128xf32, #tpu.memory_space<vmem>>) dst(%dma_wait3A_627 : memref<64x128xf32, #tpu.memory_space<hbm>>)
      } else {
      }
      %dma_start3A_177 = arith.constant 256 : i32
      %dma_start3A_178 = tpu.memref_slice %arg5[%rem3A_93, %dma_start3A_177] : memref<26x512xi32, #tpu.memory_space<vmem>> -> memref<1x64xi32, #tpu.memory_space<vmem>>
      %dma_start3A_179 = tpu.memref_squeeze %dma_start3A_178 : memref<1x64xi32, #tpu.memory_space<vmem>> -> memref<64xi32, #tpu.memory_space<vmem>>
      %dma_start3A_180 = arith.constant 0 : i32
      %dma_start3A_181 = arith.constant 0 : i32
      %dma_start3A_182 = tpu.memref_slice %arg6[%dma_start3A_180, %dma_start3A_181] : memref<1000x128xf32, #tpu.memory_space<vmem_shared>> -> memref<1000x128xf32, #tpu.memory_space<vmem_shared>>
      tpu.enqueue_indirect_dma source(%dma_start3A_182 : memref<1000x128xf32, #tpu.memory_space<vmem_shared>>) target(%arg12 : memref<64x128xf32, #tpu.memory_space<vmem>>) offsets(%dma_start3A_179 : memref<64xi32, #tpu.memory_space<vmem>>) semaphore(%arg16 : memref<!tpu.dma_semaphore, #tpu.memory_space<semaphore_mem>>)
      %mul3A_183 = arith.constant 16384 : i32
      %mul3A_184 = arith.muli %rem3A_104, %mul3A_183 : i32
      %add3A_185 = arith.addi %mul3A_184, %mul3A_2 : i32
      %add3A_186 = arith.constant 320 : i32
      %add3A_187 = arith.addi %add3A_185, %add3A_186 : i32
      %ge3A_188 = arith.constant 1 : i32
      %ge3A_189 = arith.cmpi sge, %scan3A_86, %ge3A_188 : i32
      %convert_element_type3A_190 = arith.extui %ge3A_189 : i1 to i32
      %cond3A_191 = arith.constant 0 : i32
      %cond3A_192 = arith.cmpi ne, %convert_element_type3A_190, %cond3A_191 : i32
      scf.if %cond3A_192 {
        %dma_wait3A_624 = arith.constant 0 : i32
        %dma_wait3A_625 = tpu.memref_slice %arg4[%add3A_187, %dma_wait3A_624] : memref<425984x128xf32, #tpu.memory_space<hbm>> -> memref<64x128xf32, #tpu.memory_space<hbm>>
        %dma_wait3A_626 = arith.constant 0 : i32
        %dma_wait3A_627 = tpu.memref_slice %arg4[%add3A_187, %dma_wait3A_626] : memref<425984x128xf32, #tpu.memory_space<hbm>> -> memref<64x128xf32, #tpu.memory_space<hbm>>
        tpu.wait_dma2 semaphore(%arg17 : memref<!tpu.dma_semaphore, #tpu.memory_space<semaphore_mem>>) src(%arg13 : memref<64x128xf32, #tpu.memory_space<vmem>>) dst(%dma_wait3A_627 : memref<64x128xf32, #tpu.memory_space<hbm>>)
      } else {
      }
      %dma_start3A_193 = arith.constant 320 : i32
      %dma_start3A_194 = tpu.memref_slice %arg5[%rem3A_93, %dma_start3A_193] : memref<26x512xi32, #tpu.memory_space<vmem>> -> memref<1x64xi32, #tpu.memory_space<vmem>>
      %dma_start3A_195 = tpu.memref_squeeze %dma_start3A_194 : memref<1x64xi32, #tpu.memory_space<vmem>> -> memref<64xi32, #tpu.memory_space<vmem>>
      %dma_start3A_196 = arith.constant 0 : i32
      %dma_start3A_197 = arith.constant 0 : i32
      %dma_start3A_198 = tpu.memref_slice %arg6[%dma_start3A_196, %dma_start3A_197] : memref<1000x128xf32, #tpu.memory_space<vmem_shared>> -> memref<1000x128xf32, #tpu.memory_space<vmem_shared>>
      tpu.enqueue_indirect_dma source(%dma_start3A_198 : memref<1000x128xf32, #tpu.memory_space<vmem_shared>>) target(%arg13 : memref<64x128xf32, #tpu.memory_space<vmem>>) offsets(%dma_start3A_195 : memref<64xi32, #tpu.memory_space<vmem>>) semaphore(%arg16 : memref<!tpu.dma_semaphore, #tpu.memory_space<semaphore_mem>>)
      %mul3A_199 = arith.constant 16384 : i32
      %mul3A_200 = arith.muli %rem3A_104, %mul3A_199 : i32
      %add3A_201 = arith.addi %mul3A_200, %mul3A_2 : i32
      %add3A_202 = arith.constant 384 : i32
      %add3A_203 = arith.addi %add3A_201, %add3A_202 : i32
      %ge3A_204 = arith.constant 1 : i32
      %ge3A_205 = arith.cmpi sge, %scan3A_86, %ge3A_204 : i32
      %convert_element_type3A_206 = arith.extui %ge3A_205 : i1 to i32
      %cond3A_207 = arith.constant 0 : i32
      %cond3A_208 = arith.cmpi ne, %convert_element_type3A_206, %cond3A_207 : i32
      scf.if %cond3A_208 {
        %dma_wait3A_624 = arith.constant 0 : i32
        %dma_wait3A_625 = tpu.memref_slice %arg4[%add3A_203, %dma_wait3A_624] : memref<425984x128xf32, #tpu.memory_space<hbm>> -> memref<64x128xf32, #tpu.memory_space<hbm>>
        %dma_wait3A_626 = arith.constant 0 : i32
        %dma_wait3A_627 = tpu.memref_slice %arg4[%add3A_203, %dma_wait3A_626] : memref<425984x128xf32, #tpu.memory_space<hbm>> -> memref<64x128xf32, #tpu.memory_space<hbm>>
        tpu.wait_dma2 semaphore(%arg17 : memref<!tpu.dma_semaphore, #tpu.memory_space<semaphore_mem>>) src(%arg14 : memref<64x128xf32, #tpu.memory_space<vmem>>) dst(%dma_wait3A_627 : memref<64x128xf32, #tpu.memory_space<hbm>>)
      } else {
      }
      %dma_start3A_209 = arith.constant 384 : i32
      %dma_start3A_210 = tpu.memref_slice %arg5[%rem3A_93, %dma_start3A_209] : memref<26x512xi32, #tpu.memory_space<vmem>> -> memref<1x64xi32, #tpu.memory_space<vmem>>
      %dma_start3A_211 = tpu.memref_squeeze %dma_start3A_210 : memref<1x64xi32, #tpu.memory_space<vmem>> -> memref<64xi32, #tpu.memory_space<vmem>>
      %dma_start3A_212 = arith.constant 0 : i32
      %dma_start3A_213 = arith.constant 0 : i32
      %dma_start3A_214 = tpu.memref_slice %arg6[%dma_start3A_212, %dma_start3A_213] : memref<1000x128xf32, #tpu.memory_space<vmem_shared>> -> memref<1000x128xf32, #tpu.memory_space<vmem_shared>>
      tpu.enqueue_indirect_dma source(%dma_start3A_214 : memref<1000x128xf32, #tpu.memory_space<vmem_shared>>) target(%arg14 : memref<64x128xf32, #tpu.memory_space<vmem>>) offsets(%dma_start3A_211 : memref<64xi32, #tpu.memory_space<vmem>>) semaphore(%arg16 : memref<!tpu.dma_semaphore, #tpu.memory_space<semaphore_mem>>)
      %mul3A_215 = arith.constant 16384 : i32
      %mul3A_216 = arith.muli %rem3A_104, %mul3A_215 : i32
      %add3A_217 = arith.addi %mul3A_216, %mul3A_2 : i32
      %add3A_218 = arith.constant 448 : i32
      %add3A_219 = arith.addi %add3A_217, %add3A_218 : i32
      %ge3A_220 = arith.constant 1 : i32
      %ge3A_221 = arith.cmpi sge, %scan3A_86, %ge3A_220 : i32
      %convert_element_type3A_222 = arith.extui %ge3A_221 : i1 to i32
      %cond3A_223 = arith.constant 0 : i32
      %cond3A_224 = arith.cmpi ne, %convert_element_type3A_222, %cond3A_223 : i32
      scf.if %cond3A_224 {
        %dma_wait3A_624 = arith.constant 0 : i32
        %dma_wait3A_625 = tpu.memref_slice %arg4[%add3A_219, %dma_wait3A_624] : memref<425984x128xf32, #tpu.memory_space<hbm>> -> memref<64x128xf32, #tpu.memory_space<hbm>>
        %dma_wait3A_626 = arith.constant 0 : i32
        %dma_wait3A_627 = tpu.memref_slice %arg4[%add3A_219, %dma_wait3A_626] : memref<425984x128xf32, #tpu.memory_space<hbm>> -> memref<64x128xf32, #tpu.memory_space<hbm>>
        tpu.wait_dma2 semaphore(%arg17 : memref<!tpu.dma_semaphore, #tpu.memory_space<semaphore_mem>>) src(%arg15 : memref<64x128xf32, #tpu.memory_space<vmem>>) dst(%dma_wait3A_627 : memref<64x128xf32, #tpu.memory_space<hbm>>)
      } else {
      }
      %dma_start3A_225 = arith.constant 448 : i32
      %dma_start3A_226 = tpu.memref_slice %arg5[%rem3A_93, %dma_start3A_225] : memref<26x512xi32, #tpu.memory_space<vmem>> -> memref<1x64xi32, #tpu.memory_space<vmem>>
      %dma_start3A_227 = tpu.memref_squeeze %dma_start3A_226 : memref<1x64xi32, #tpu.memory_space<vmem>> -> memref<64xi32, #tpu.memory_space<vmem>>
      %dma_start3A_228 = arith.constant 0 : i32
      %dma_start3A_229 = arith.constant 0 : i32
      %dma_start3A_230 = tpu.memref_slice %arg6[%dma_start3A_228, %dma_start3A_229] : memref<1000x128xf32, #tpu.memory_space<vmem_shared>> -> memref<1000x128xf32, #tpu.memory_space<vmem_shared>>
      tpu.enqueue_indirect_dma source(%dma_start3A_230 : memref<1000x128xf32, #tpu.memory_space<vmem_shared>>) target(%arg15 : memref<64x128xf32, #tpu.memory_space<vmem>>) offsets(%dma_start3A_227 : memref<64xi32, #tpu.memory_space<vmem>>) semaphore(%arg16 : memref<!tpu.dma_semaphore, #tpu.memory_space<semaphore_mem>>)
      %eq3A_231 = arith.constant 0 : i32
      %eq3A_232 = arith.cmpi eq, %arg1, %eq3A_231 : i32
      %convert_element_type3A_233 = arith.extui %eq3A_232 : i1 to i32
      %cond3A_234 = arith.constant 0 : i32
      %cond3A_235 = arith.cmpi ne, %convert_element_type3A_233, %cond3A_234 : i32
      scf.if %cond3A_235 {
        %add3A_624 = arith.constant 1 : i32
        %add3A_625 = arith.addi %mul3A_88, %add3A_624 : i32
        %mul3A_626 = arith.constant 13 : i32
        %mul3A_627 = arith.muli %arg0, %mul3A_626 : i32
        %add3A_628 = arith.addi %add3A_625, %mul3A_627 : i32
        %rem3A_629 = arith.constant 26 : i32
        %rem3A_630 = arith.remsi %add3A_628, %rem3A_629 : i32
        %mul3A_631 = arith.constant 1000 : i32
        %mul3A_632 = arith.muli %rem3A_630, %mul3A_631 : i32
        %dma_start3A_633 = arith.constant 0 : i32
        %dma_start3A_634 = tpu.memref_slice %arg3[%mul3A_632, %dma_start3A_633] : memref<26000x128xf32, #tpu.memory_space<hbm>> -> memref<1000x128xf32, #tpu.memory_space<hbm>>
        tpu.enqueue_dma source(%dma_start3A_634 : memref<1000x128xf32, #tpu.memory_space<hbm>>) target(%arg7 : memref<1000x128xf32, #tpu.memory_space<vmem_shared>>) target_semaphore(%arg18 : memref<!tpu.dma_semaphore, #tpu.memory_space<semaphore_mem>>)
      } else {
      }
      %dma_wait3A_236 = arith.constant 0 : i32
      %dma_wait3A_237 = tpu.memref_slice %arg5[%rem3A_93, %dma_wait3A_236] : memref<26x512xi32, #tpu.memory_space<vmem>> -> memref<1x64xi32, #tpu.memory_space<vmem>>
      %dma_wait3A_238 = tpu.memref_squeeze %dma_wait3A_237 : memref<1x64xi32, #tpu.memory_space<vmem>> -> memref<64xi32, #tpu.memory_space<vmem>>
      %dma_wait3A_239 = arith.constant 0 : i32
      %dma_wait3A_240 = arith.constant 0 : i32
      %dma_wait3A_241 = tpu.memref_slice %arg6[%dma_wait3A_239, %dma_wait3A_240] : memref<1000x128xf32, #tpu.memory_space<vmem_shared>> -> memref<1000x128xf32, #tpu.memory_space<vmem_shared>>
      tpu.wait_indirect_dma semaphore(%arg16 : memref<!tpu.dma_semaphore, #tpu.memory_space<semaphore_mem>>) src(%dma_wait3A_241 : memref<1000x128xf32, #tpu.memory_space<vmem_shared>>) dst(%arg8 : memref<64x128xf32, #tpu.memory_space<vmem>>)
      %mul3A_242 = arith.constant 16384 : i32
      %mul3A_243 = arith.muli %rem3A_93, %mul3A_242 : i32
      %add3A_244 = arith.addi %mul3A_243, %mul3A_2 : i32
      %add3A_245 = arith.constant 0 : i32
      %add3A_246 = arith.addi %add3A_244, %add3A_245 : i32
      %dma_start3A_247 = arith.constant 0 : i32
      %dma_start3A_248 = tpu.memref_slice %arg4[%add3A_246, %dma_start3A_247] : memref<425984x128xf32, #tpu.memory_space<hbm>> -> memref<64x128xf32, #tpu.memory_space<hbm>>
      %dma_start3A_249 = arith.constant 0 : i32
      %dma_start3A_250 = tpu.memref_slice %arg4[%add3A_246, %dma_start3A_249] : memref<425984x128xf32, #tpu.memory_space<hbm>> -> memref<64x128xf32, #tpu.memory_space<hbm>>
      tpu.enqueue_dma source(%arg8 : memref<64x128xf32, #tpu.memory_space<vmem>>) target(%dma_start3A_250 : memref<64x128xf32, #tpu.memory_space<hbm>>) target_semaphore(%arg17 : memref<!tpu.dma_semaphore, #tpu.memory_space<semaphore_mem>>)
      %dma_wait3A_251 = arith.constant 64 : i32
      %dma_wait3A_252 = tpu.memref_slice %arg5[%rem3A_93, %dma_wait3A_251] : memref<26x512xi32, #tpu.memory_space<vmem>> -> memref<1x64xi32, #tpu.memory_space<vmem>>
      %dma_wait3A_253 = tpu.memref_squeeze %dma_wait3A_252 : memref<1x64xi32, #tpu.memory_space<vmem>> -> memref<64xi32, #tpu.memory_space<vmem>>
      %dma_wait3A_254 = arith.constant 0 : i32
      %dma_wait3A_255 = arith.constant 0 : i32
      %dma_wait3A_256 = tpu.memref_slice %arg6[%dma_wait3A_254, %dma_wait3A_255] : memref<1000x128xf32, #tpu.memory_space<vmem_shared>> -> memref<1000x128xf32, #tpu.memory_space<vmem_shared>>
      tpu.wait_indirect_dma semaphore(%arg16 : memref<!tpu.dma_semaphore, #tpu.memory_space<semaphore_mem>>) src(%dma_wait3A_256 : memref<1000x128xf32, #tpu.memory_space<vmem_shared>>) dst(%arg9 : memref<64x128xf32, #tpu.memory_space<vmem>>)
      %mul3A_257 = arith.constant 16384 : i32
      %mul3A_258 = arith.muli %rem3A_93, %mul3A_257 : i32
      %add3A_259 = arith.addi %mul3A_258, %mul3A_2 : i32
      %add3A_260 = arith.constant 64 : i32
      %add3A_261 = arith.addi %add3A_259, %add3A_260 : i32
      %dma_start3A_262 = arith.constant 0 : i32
      %dma_start3A_263 = tpu.memref_slice %arg4[%add3A_261, %dma_start3A_262] : memref<425984x128xf32, #tpu.memory_space<hbm>> -> memref<64x128xf32, #tpu.memory_space<hbm>>
      %dma_start3A_264 = arith.constant 0 : i32
      %dma_start3A_265 = tpu.memref_slice %arg4[%add3A_261, %dma_start3A_264] : memref<425984x128xf32, #tpu.memory_space<hbm>> -> memref<64x128xf32, #tpu.memory_space<hbm>>
      tpu.enqueue_dma source(%arg9 : memref<64x128xf32, #tpu.memory_space<vmem>>) target(%dma_start3A_265 : memref<64x128xf32, #tpu.memory_space<hbm>>) target_semaphore(%arg17 : memref<!tpu.dma_semaphore, #tpu.memory_space<semaphore_mem>>)
      %dma_wait3A_266 = arith.constant 128 : i32
      %dma_wait3A_267 = tpu.memref_slice %arg5[%rem3A_93, %dma_wait3A_266] : memref<26x512xi32, #tpu.memory_space<vmem>> -> memref<1x64xi32, #tpu.memory_space<vmem>>
      %dma_wait3A_268 = tpu.memref_squeeze %dma_wait3A_267 : memref<1x64xi32, #tpu.memory_space<vmem>> -> memref<64xi32, #tpu.memory_space<vmem>>
      %dma_wait3A_269 = arith.constant 0 : i32
      %dma_wait3A_270 = arith.constant 0 : i32
      %dma_wait3A_271 = tpu.memref_slice %arg6[%dma_wait3A_269, %dma_wait3A_270] : memref<1000x128xf32, #tpu.memory_space<vmem_shared>> -> memref<1000x128xf32, #tpu.memory_space<vmem_shared>>
      tpu.wait_indirect_dma semaphore(%arg16 : memref<!tpu.dma_semaphore, #tpu.memory_space<semaphore_mem>>) src(%dma_wait3A_271 : memref<1000x128xf32, #tpu.memory_space<vmem_shared>>) dst(%arg10 : memref<64x128xf32, #tpu.memory_space<vmem>>)
      %mul3A_272 = arith.constant 16384 : i32
      %mul3A_273 = arith.muli %rem3A_93, %mul3A_272 : i32
      %add3A_274 = arith.addi %mul3A_273, %mul3A_2 : i32
      %add3A_275 = arith.constant 128 : i32
      %add3A_276 = arith.addi %add3A_274, %add3A_275 : i32
      %dma_start3A_277 = arith.constant 0 : i32
      %dma_start3A_278 = tpu.memref_slice %arg4[%add3A_276, %dma_start3A_277] : memref<425984x128xf32, #tpu.memory_space<hbm>> -> memref<64x128xf32, #tpu.memory_space<hbm>>
      %dma_start3A_279 = arith.constant 0 : i32
      %dma_start3A_280 = tpu.memref_slice %arg4[%add3A_276, %dma_start3A_279] : memref<425984x128xf32, #tpu.memory_space<hbm>> -> memref<64x128xf32, #tpu.memory_space<hbm>>
      tpu.enqueue_dma source(%arg10 : memref<64x128xf32, #tpu.memory_space<vmem>>) target(%dma_start3A_280 : memref<64x128xf32, #tpu.memory_space<hbm>>) target_semaphore(%arg17 : memref<!tpu.dma_semaphore, #tpu.memory_space<semaphore_mem>>)
      %dma_wait3A_281 = arith.constant 192 : i32
      %dma_wait3A_282 = tpu.memref_slice %arg5[%rem3A_93, %dma_wait3A_281] : memref<26x512xi32, #tpu.memory_space<vmem>> -> memref<1x64xi32, #tpu.memory_space<vmem>>
      %dma_wait3A_283 = tpu.memref_squeeze %dma_wait3A_282 : memref<1x64xi32, #tpu.memory_space<vmem>> -> memref<64xi32, #tpu.memory_space<vmem>>
      %dma_wait3A_284 = arith.constant 0 : i32
      %dma_wait3A_285 = arith.constant 0 : i32
      %dma_wait3A_286 = tpu.memref_slice %arg6[%dma_wait3A_284, %dma_wait3A_285] : memref<1000x128xf32, #tpu.memory_space<vmem_shared>> -> memref<1000x128xf32, #tpu.memory_space<vmem_shared>>
      tpu.wait_indirect_dma semaphore(%arg16 : memref<!tpu.dma_semaphore, #tpu.memory_space<semaphore_mem>>) src(%dma_wait3A_286 : memref<1000x128xf32, #tpu.memory_space<vmem_shared>>) dst(%arg11 : memref<64x128xf32, #tpu.memory_space<vmem>>)
      %mul3A_287 = arith.constant 16384 : i32
      %mul3A_288 = arith.muli %rem3A_93, %mul3A_287 : i32
      %add3A_289 = arith.addi %mul3A_288, %mul3A_2 : i32
      %add3A_290 = arith.constant 192 : i32
      %add3A_291 = arith.addi %add3A_289, %add3A_290 : i32
      %dma_start3A_292 = arith.constant 0 : i32
      %dma_start3A_293 = tpu.memref_slice %arg4[%add3A_291, %dma_start3A_292] : memref<425984x128xf32, #tpu.memory_space<hbm>> -> memref<64x128xf32, #tpu.memory_space<hbm>>
      %dma_start3A_294 = arith.constant 0 : i32
      %dma_start3A_295 = tpu.memref_slice %arg4[%add3A_291, %dma_start3A_294] : memref<425984x128xf32, #tpu.memory_space<hbm>> -> memref<64x128xf32, #tpu.memory_space<hbm>>
      tpu.enqueue_dma source(%arg11 : memref<64x128xf32, #tpu.memory_space<vmem>>) target(%dma_start3A_295 : memref<64x128xf32, #tpu.memory_space<hbm>>) target_semaphore(%arg17 : memref<!tpu.dma_semaphore, #tpu.memory_space<semaphore_mem>>)
      %dma_wait3A_296 = arith.constant 256 : i32
      %dma_wait3A_297 = tpu.memref_slice %arg5[%rem3A_93, %dma_wait3A_296] : memref<26x512xi32, #tpu.memory_space<vmem>> -> memref<1x64xi32, #tpu.memory_space<vmem>>
      %dma_wait3A_298 = tpu.memref_squeeze %dma_wait3A_297 : memref<1x64xi32, #tpu.memory_space<vmem>> -> memref<64xi32, #tpu.memory_space<vmem>>
      %dma_wait3A_299 = arith.constant 0 : i32
      %dma_wait3A_300 = arith.constant 0 : i32
      %dma_wait3A_301 = tpu.memref_slice %arg6[%dma_wait3A_299, %dma_wait3A_300] : memref<1000x128xf32, #tpu.memory_space<vmem_shared>> -> memref<1000x128xf32, #tpu.memory_space<vmem_shared>>
      tpu.wait_indirect_dma semaphore(%arg16 : memref<!tpu.dma_semaphore, #tpu.memory_space<semaphore_mem>>) src(%dma_wait3A_301 : memref<1000x128xf32, #tpu.memory_space<vmem_shared>>) dst(%arg12 : memref<64x128xf32, #tpu.memory_space<vmem>>)
      %mul3A_302 = arith.constant 16384 : i32
      %mul3A_303 = arith.muli %rem3A_93, %mul3A_302 : i32
      %add3A_304 = arith.addi %mul3A_303, %mul3A_2 : i32
      %add3A_305 = arith.constant 256 : i32
      %add3A_306 = arith.addi %add3A_304, %add3A_305 : i32
      %dma_start3A_307 = arith.constant 0 : i32
      %dma_start3A_308 = tpu.memref_slice %arg4[%add3A_306, %dma_start3A_307] : memref<425984x128xf32, #tpu.memory_space<hbm>> -> memref<64x128xf32, #tpu.memory_space<hbm>>
      %dma_start3A_309 = arith.constant 0 : i32
      %dma_start3A_310 = tpu.memref_slice %arg4[%add3A_306, %dma_start3A_309] : memref<425984x128xf32, #tpu.memory_space<hbm>> -> memref<64x128xf32, #tpu.memory_space<hbm>>
      tpu.enqueue_dma source(%arg12 : memref<64x128xf32, #tpu.memory_space<vmem>>) target(%dma_start3A_310 : memref<64x128xf32, #tpu.memory_space<hbm>>) target_semaphore(%arg17 : memref<!tpu.dma_semaphore, #tpu.memory_space<semaphore_mem>>)
      %dma_wait3A_311 = arith.constant 320 : i32
      %dma_wait3A_312 = tpu.memref_slice %arg5[%rem3A_93, %dma_wait3A_311] : memref<26x512xi32, #tpu.memory_space<vmem>> -> memref<1x64xi32, #tpu.memory_space<vmem>>
      %dma_wait3A_313 = tpu.memref_squeeze %dma_wait3A_312 : memref<1x64xi32, #tpu.memory_space<vmem>> -> memref<64xi32, #tpu.memory_space<vmem>>
      %dma_wait3A_314 = arith.constant 0 : i32
      %dma_wait3A_315 = arith.constant 0 : i32
      %dma_wait3A_316 = tpu.memref_slice %arg6[%dma_wait3A_314, %dma_wait3A_315] : memref<1000x128xf32, #tpu.memory_space<vmem_shared>> -> memref<1000x128xf32, #tpu.memory_space<vmem_shared>>
      tpu.wait_indirect_dma semaphore(%arg16 : memref<!tpu.dma_semaphore, #tpu.memory_space<semaphore_mem>>) src(%dma_wait3A_316 : memref<1000x128xf32, #tpu.memory_space<vmem_shared>>) dst(%arg13 : memref<64x128xf32, #tpu.memory_space<vmem>>)
      %mul3A_317 = arith.constant 16384 : i32
      %mul3A_318 = arith.muli %rem3A_93, %mul3A_317 : i32
      %add3A_319 = arith.addi %mul3A_318, %mul3A_2 : i32
      %add3A_320 = arith.constant 320 : i32
      %add3A_321 = arith.addi %add3A_319, %add3A_320 : i32
      %dma_start3A_322 = arith.constant 0 : i32
      %dma_start3A_323 = tpu.memref_slice %arg4[%add3A_321, %dma_start3A_322] : memref<425984x128xf32, #tpu.memory_space<hbm>> -> memref<64x128xf32, #tpu.memory_space<hbm>>
      %dma_start3A_324 = arith.constant 0 : i32
      %dma_start3A_325 = tpu.memref_slice %arg4[%add3A_321, %dma_start3A_324] : memref<425984x128xf32, #tpu.memory_space<hbm>> -> memref<64x128xf32, #tpu.memory_space<hbm>>
      tpu.enqueue_dma source(%arg13 : memref<64x128xf32, #tpu.memory_space<vmem>>) target(%dma_start3A_325 : memref<64x128xf32, #tpu.memory_space<hbm>>) target_semaphore(%arg17 : memref<!tpu.dma_semaphore, #tpu.memory_space<semaphore_mem>>)
      %dma_wait3A_326 = arith.constant 384 : i32
      %dma_wait3A_327 = tpu.memref_slice %arg5[%rem3A_93, %dma_wait3A_326] : memref<26x512xi32, #tpu.memory_space<vmem>> -> memref<1x64xi32, #tpu.memory_space<vmem>>
      %dma_wait3A_328 = tpu.memref_squeeze %dma_wait3A_327 : memref<1x64xi32, #tpu.memory_space<vmem>> -> memref<64xi32, #tpu.memory_space<vmem>>
      %dma_wait3A_329 = arith.constant 0 : i32
      %dma_wait3A_330 = arith.constant 0 : i32
      %dma_wait3A_331 = tpu.memref_slice %arg6[%dma_wait3A_329, %dma_wait3A_330] : memref<1000x128xf32, #tpu.memory_space<vmem_shared>> -> memref<1000x128xf32, #tpu.memory_space<vmem_shared>>
      tpu.wait_indirect_dma semaphore(%arg16 : memref<!tpu.dma_semaphore, #tpu.memory_space<semaphore_mem>>) src(%dma_wait3A_331 : memref<1000x128xf32, #tpu.memory_space<vmem_shared>>) dst(%arg14 : memref<64x128xf32, #tpu.memory_space<vmem>>)
      %mul3A_332 = arith.constant 16384 : i32
      %mul3A_333 = arith.muli %rem3A_93, %mul3A_332 : i32
      %add3A_334 = arith.addi %mul3A_333, %mul3A_2 : i32
      %add3A_335 = arith.constant 384 : i32
      %add3A_336 = arith.addi %add3A_334, %add3A_335 : i32
      %dma_start3A_337 = arith.constant 0 : i32
      %dma_start3A_338 = tpu.memref_slice %arg4[%add3A_336, %dma_start3A_337] : memref<425984x128xf32, #tpu.memory_space<hbm>> -> memref<64x128xf32, #tpu.memory_space<hbm>>
      %dma_start3A_339 = arith.constant 0 : i32
      %dma_start3A_340 = tpu.memref_slice %arg4[%add3A_336, %dma_start3A_339] : memref<425984x128xf32, #tpu.memory_space<hbm>> -> memref<64x128xf32, #tpu.memory_space<hbm>>
      tpu.enqueue_dma source(%arg14 : memref<64x128xf32, #tpu.memory_space<vmem>>) target(%dma_start3A_340 : memref<64x128xf32, #tpu.memory_space<hbm>>) target_semaphore(%arg17 : memref<!tpu.dma_semaphore, #tpu.memory_space<semaphore_mem>>)
      %dma_wait3A_341 = arith.constant 448 : i32
      %dma_wait3A_342 = tpu.memref_slice %arg5[%rem3A_93, %dma_wait3A_341] : memref<26x512xi32, #tpu.memory_space<vmem>> -> memref<1x64xi32, #tpu.memory_space<vmem>>
      %dma_wait3A_343 = tpu.memref_squeeze %dma_wait3A_342 : memref<1x64xi32, #tpu.memory_space<vmem>> -> memref<64xi32, #tpu.memory_space<vmem>>
      %dma_wait3A_344 = arith.constant 0 : i32
      %dma_wait3A_345 = arith.constant 0 : i32
      %dma_wait3A_346 = tpu.memref_slice %arg6[%dma_wait3A_344, %dma_wait3A_345] : memref<1000x128xf32, #tpu.memory_space<vmem_shared>> -> memref<1000x128xf32, #tpu.memory_space<vmem_shared>>
      tpu.wait_indirect_dma semaphore(%arg16 : memref<!tpu.dma_semaphore, #tpu.memory_space<semaphore_mem>>) src(%dma_wait3A_346 : memref<1000x128xf32, #tpu.memory_space<vmem_shared>>) dst(%arg15 : memref<64x128xf32, #tpu.memory_space<vmem>>)
      %mul3A_347 = arith.constant 16384 : i32
      %mul3A_348 = arith.muli %rem3A_93, %mul3A_347 : i32
      %add3A_349 = arith.addi %mul3A_348, %mul3A_2 : i32
      %add3A_350 = arith.constant 448 : i32
      %add3A_351 = arith.addi %add3A_349, %add3A_350 : i32
      %dma_start3A_352 = arith.constant 0 : i32
      %dma_start3A_353 = tpu.memref_slice %arg4[%add3A_351, %dma_start3A_352] : memref<425984x128xf32, #tpu.memory_space<hbm>> -> memref<64x128xf32, #tpu.memory_space<hbm>>
      %dma_start3A_354 = arith.constant 0 : i32
      %dma_start3A_355 = tpu.memref_slice %arg4[%add3A_351, %dma_start3A_354] : memref<425984x128xf32, #tpu.memory_space<hbm>> -> memref<64x128xf32, #tpu.memory_space<hbm>>
      tpu.enqueue_dma source(%arg15 : memref<64x128xf32, #tpu.memory_space<vmem>>) target(%dma_start3A_355 : memref<64x128xf32, #tpu.memory_space<hbm>>) target_semaphore(%arg17 : memref<!tpu.dma_semaphore, #tpu.memory_space<semaphore_mem>>)
      %mul3A_356 = arith.constant 2 : i32
      %mul3A_357 = arith.muli %mul3A_356, %scan3A_86 : i32
      %add3A_358 = arith.constant 1 : i32
      %add3A_359 = arith.addi %mul3A_357, %add3A_358 : i32
      %mul3A_360 = arith.constant 13 : i32
      %mul3A_361 = arith.muli %arg0, %mul3A_360 : i32
      %add3A_362 = arith.addi %add3A_359, %mul3A_361 : i32
      %rem3A_363 = arith.constant 26 : i32
      %rem3A_364 = arith.remsi %add3A_362, %rem3A_363 : i32
      %eq3A_365 = arith.constant 0 : i32
      %eq3A_366 = arith.cmpi eq, %arg1, %eq3A_365 : i32
      %convert_element_type3A_367 = arith.extui %eq3A_366 : i1 to i32
      %cond3A_368 = arith.constant 0 : i32
      %cond3A_369 = arith.cmpi ne, %convert_element_type3A_367, %cond3A_368 : i32
      scf.if %cond3A_369 {
        %dma_wait3A_624 = arith.constant 0 : i32
        %dma_wait3A_625 = arith.constant 0 : i32
        %dma_wait3A_626 = tpu.memref_slice %arg3[%dma_wait3A_624, %dma_wait3A_625] : memref<26000x128xf32, #tpu.memory_space<hbm>> -> memref<1000x128xf32, #tpu.memory_space<hbm>>
        tpu.wait_dma2 semaphore(%arg18 : memref<!tpu.dma_semaphore, #tpu.memory_space<semaphore_mem>>) src(%dma_wait3A_626 : memref<1000x128xf32, #tpu.memory_space<hbm>>) dst(%arg7 : memref<1000x128xf32, #tpu.memory_space<vmem_shared>>)
      } else {
      }
      %barrier3A_370 = arith.constant 0 : index
      tpu.barrier barrier_id(%barrier3A_370)
      %sub3A_371 = arith.constant 1 : i32
      %sub3A_372 = arith.subi %add3A_359, %sub3A_371 : i32
      %mul3A_373 = arith.constant 13 : i32
      %mul3A_374 = arith.muli %arg0, %mul3A_373 : i32
      %add3A_375 = arith.addi %sub3A_372, %mul3A_374 : i32
      %rem3A_376 = arith.constant 26 : i32
      %rem3A_377 = arith.remsi %add3A_375, %rem3A_376 : i32
      %mul3A_378 = arith.constant 16384 : i32
      %mul3A_379 = arith.muli %rem3A_377, %mul3A_378 : i32
      %add3A_380 = arith.addi %mul3A_379, %mul3A_2 : i32
      %add3A_381 = arith.constant 0 : i32
      %add3A_382 = arith.addi %add3A_380, %add3A_381 : i32
      %dma_wait3A_383 = arith.constant 0 : i32
      %dma_wait3A_384 = tpu.memref_slice %arg4[%add3A_382, %dma_wait3A_383] : memref<425984x128xf32, #tpu.memory_space<hbm>> -> memref<64x128xf32, #tpu.memory_space<hbm>>
      %dma_wait3A_385 = arith.constant 0 : i32
      %dma_wait3A_386 = tpu.memref_slice %arg4[%add3A_382, %dma_wait3A_385] : memref<425984x128xf32, #tpu.memory_space<hbm>> -> memref<64x128xf32, #tpu.memory_space<hbm>>
      tpu.wait_dma2 semaphore(%arg17 : memref<!tpu.dma_semaphore, #tpu.memory_space<semaphore_mem>>) src(%arg8 : memref<64x128xf32, #tpu.memory_space<vmem>>) dst(%dma_wait3A_386 : memref<64x128xf32, #tpu.memory_space<hbm>>)
      %dma_start3A_387 = arith.constant 0 : i32
      %dma_start3A_388 = tpu.memref_slice %arg5[%rem3A_364, %dma_start3A_387] : memref<26x512xi32, #tpu.memory_space<vmem>> -> memref<1x64xi32, #tpu.memory_space<vmem>>
      %dma_start3A_389 = tpu.memref_squeeze %dma_start3A_388 : memref<1x64xi32, #tpu.memory_space<vmem>> -> memref<64xi32, #tpu.memory_space<vmem>>
      %dma_start3A_390 = arith.constant 0 : i32
      %dma_start3A_391 = arith.constant 0 : i32
      %dma_start3A_392 = tpu.memref_slice %arg7[%dma_start3A_390, %dma_start3A_391] : memref<1000x128xf32, #tpu.memory_space<vmem_shared>> -> memref<1000x128xf32, #tpu.memory_space<vmem_shared>>
      tpu.enqueue_indirect_dma source(%dma_start3A_392 : memref<1000x128xf32, #tpu.memory_space<vmem_shared>>) target(%arg8 : memref<64x128xf32, #tpu.memory_space<vmem>>) offsets(%dma_start3A_389 : memref<64xi32, #tpu.memory_space<vmem>>) semaphore(%arg16 : memref<!tpu.dma_semaphore, #tpu.memory_space<semaphore_mem>>)
      %mul3A_393 = arith.constant 16384 : i32
      %mul3A_394 = arith.muli %rem3A_377, %mul3A_393 : i32
      %add3A_395 = arith.addi %mul3A_394, %mul3A_2 : i32
      %add3A_396 = arith.constant 64 : i32
      %add3A_397 = arith.addi %add3A_395, %add3A_396 : i32
      %dma_wait3A_398 = arith.constant 0 : i32
      %dma_wait3A_399 = tpu.memref_slice %arg4[%add3A_397, %dma_wait3A_398] : memref<425984x128xf32, #tpu.memory_space<hbm>> -> memref<64x128xf32, #tpu.memory_space<hbm>>
      %dma_wait3A_400 = arith.constant 0 : i32
      %dma_wait3A_401 = tpu.memref_slice %arg4[%add3A_397, %dma_wait3A_400] : memref<425984x128xf32, #tpu.memory_space<hbm>> -> memref<64x128xf32, #tpu.memory_space<hbm>>
      tpu.wait_dma2 semaphore(%arg17 : memref<!tpu.dma_semaphore, #tpu.memory_space<semaphore_mem>>) src(%arg9 : memref<64x128xf32, #tpu.memory_space<vmem>>) dst(%dma_wait3A_401 : memref<64x128xf32, #tpu.memory_space<hbm>>)
      %dma_start3A_402 = arith.constant 64 : i32
      %dma_start3A_403 = tpu.memref_slice %arg5[%rem3A_364, %dma_start3A_402] : memref<26x512xi32, #tpu.memory_space<vmem>> -> memref<1x64xi32, #tpu.memory_space<vmem>>
      %dma_start3A_404 = tpu.memref_squeeze %dma_start3A_403 : memref<1x64xi32, #tpu.memory_space<vmem>> -> memref<64xi32, #tpu.memory_space<vmem>>
      %dma_start3A_405 = arith.constant 0 : i32
      %dma_start3A_406 = arith.constant 0 : i32
      %dma_start3A_407 = tpu.memref_slice %arg7[%dma_start3A_405, %dma_start3A_406] : memref<1000x128xf32, #tpu.memory_space<vmem_shared>> -> memref<1000x128xf32, #tpu.memory_space<vmem_shared>>
      tpu.enqueue_indirect_dma source(%dma_start3A_407 : memref<1000x128xf32, #tpu.memory_space<vmem_shared>>) target(%arg9 : memref<64x128xf32, #tpu.memory_space<vmem>>) offsets(%dma_start3A_404 : memref<64xi32, #tpu.memory_space<vmem>>) semaphore(%arg16 : memref<!tpu.dma_semaphore, #tpu.memory_space<semaphore_mem>>)
      %mul3A_408 = arith.constant 16384 : i32
      %mul3A_409 = arith.muli %rem3A_377, %mul3A_408 : i32
      %add3A_410 = arith.addi %mul3A_409, %mul3A_2 : i32
      %add3A_411 = arith.constant 128 : i32
      %add3A_412 = arith.addi %add3A_410, %add3A_411 : i32
      %dma_wait3A_413 = arith.constant 0 : i32
      %dma_wait3A_414 = tpu.memref_slice %arg4[%add3A_412, %dma_wait3A_413] : memref<425984x128xf32, #tpu.memory_space<hbm>> -> memref<64x128xf32, #tpu.memory_space<hbm>>
      %dma_wait3A_415 = arith.constant 0 : i32
      %dma_wait3A_416 = tpu.memref_slice %arg4[%add3A_412, %dma_wait3A_415] : memref<425984x128xf32, #tpu.memory_space<hbm>> -> memref<64x128xf32, #tpu.memory_space<hbm>>
      tpu.wait_dma2 semaphore(%arg17 : memref<!tpu.dma_semaphore, #tpu.memory_space<semaphore_mem>>) src(%arg10 : memref<64x128xf32, #tpu.memory_space<vmem>>) dst(%dma_wait3A_416 : memref<64x128xf32, #tpu.memory_space<hbm>>)
      %dma_start3A_417 = arith.constant 128 : i32
      %dma_start3A_418 = tpu.memref_slice %arg5[%rem3A_364, %dma_start3A_417] : memref<26x512xi32, #tpu.memory_space<vmem>> -> memref<1x64xi32, #tpu.memory_space<vmem>>
      %dma_start3A_419 = tpu.memref_squeeze %dma_start3A_418 : memref<1x64xi32, #tpu.memory_space<vmem>> -> memref<64xi32, #tpu.memory_space<vmem>>
      %dma_start3A_420 = arith.constant 0 : i32
      %dma_start3A_421 = arith.constant 0 : i32
      %dma_start3A_422 = tpu.memref_slice %arg7[%dma_start3A_420, %dma_start3A_421] : memref<1000x128xf32, #tpu.memory_space<vmem_shared>> -> memref<1000x128xf32, #tpu.memory_space<vmem_shared>>
      tpu.enqueue_indirect_dma source(%dma_start3A_422 : memref<1000x128xf32, #tpu.memory_space<vmem_shared>>) target(%arg10 : memref<64x128xf32, #tpu.memory_space<vmem>>) offsets(%dma_start3A_419 : memref<64xi32, #tpu.memory_space<vmem>>) semaphore(%arg16 : memref<!tpu.dma_semaphore, #tpu.memory_space<semaphore_mem>>)
      %mul3A_423 = arith.constant 16384 : i32
      %mul3A_424 = arith.muli %rem3A_377, %mul3A_423 : i32
      %add3A_425 = arith.addi %mul3A_424, %mul3A_2 : i32
      %add3A_426 = arith.constant 192 : i32
      %add3A_427 = arith.addi %add3A_425, %add3A_426 : i32
      %dma_wait3A_428 = arith.constant 0 : i32
      %dma_wait3A_429 = tpu.memref_slice %arg4[%add3A_427, %dma_wait3A_428] : memref<425984x128xf32, #tpu.memory_space<hbm>> -> memref<64x128xf32, #tpu.memory_space<hbm>>
      %dma_wait3A_430 = arith.constant 0 : i32
      %dma_wait3A_431 = tpu.memref_slice %arg4[%add3A_427, %dma_wait3A_430] : memref<425984x128xf32, #tpu.memory_space<hbm>> -> memref<64x128xf32, #tpu.memory_space<hbm>>
      tpu.wait_dma2 semaphore(%arg17 : memref<!tpu.dma_semaphore, #tpu.memory_space<semaphore_mem>>) src(%arg11 : memref<64x128xf32, #tpu.memory_space<vmem>>) dst(%dma_wait3A_431 : memref<64x128xf32, #tpu.memory_space<hbm>>)
      %dma_start3A_432 = arith.constant 192 : i32
      %dma_start3A_433 = tpu.memref_slice %arg5[%rem3A_364, %dma_start3A_432] : memref<26x512xi32, #tpu.memory_space<vmem>> -> memref<1x64xi32, #tpu.memory_space<vmem>>
      %dma_start3A_434 = tpu.memref_squeeze %dma_start3A_433 : memref<1x64xi32, #tpu.memory_space<vmem>> -> memref<64xi32, #tpu.memory_space<vmem>>
      %dma_start3A_435 = arith.constant 0 : i32
      %dma_start3A_436 = arith.constant 0 : i32
      %dma_start3A_437 = tpu.memref_slice %arg7[%dma_start3A_435, %dma_start3A_436] : memref<1000x128xf32, #tpu.memory_space<vmem_shared>> -> memref<1000x128xf32, #tpu.memory_space<vmem_shared>>
      tpu.enqueue_indirect_dma source(%dma_start3A_437 : memref<1000x128xf32, #tpu.memory_space<vmem_shared>>) target(%arg11 : memref<64x128xf32, #tpu.memory_space<vmem>>) offsets(%dma_start3A_434 : memref<64xi32, #tpu.memory_space<vmem>>) semaphore(%arg16 : memref<!tpu.dma_semaphore, #tpu.memory_space<semaphore_mem>>)
      %mul3A_438 = arith.constant 16384 : i32
      %mul3A_439 = arith.muli %rem3A_377, %mul3A_438 : i32
      %add3A_440 = arith.addi %mul3A_439, %mul3A_2 : i32
      %add3A_441 = arith.constant 256 : i32
      %add3A_442 = arith.addi %add3A_440, %add3A_441 : i32
      %dma_wait3A_443 = arith.constant 0 : i32
      %dma_wait3A_444 = tpu.memref_slice %arg4[%add3A_442, %dma_wait3A_443] : memref<425984x128xf32, #tpu.memory_space<hbm>> -> memref<64x128xf32, #tpu.memory_space<hbm>>
      %dma_wait3A_445 = arith.constant 0 : i32
      %dma_wait3A_446 = tpu.memref_slice %arg4[%add3A_442, %dma_wait3A_445] : memref<425984x128xf32, #tpu.memory_space<hbm>> -> memref<64x128xf32, #tpu.memory_space<hbm>>
      tpu.wait_dma2 semaphore(%arg17 : memref<!tpu.dma_semaphore, #tpu.memory_space<semaphore_mem>>) src(%arg12 : memref<64x128xf32, #tpu.memory_space<vmem>>) dst(%dma_wait3A_446 : memref<64x128xf32, #tpu.memory_space<hbm>>)
      %dma_start3A_447 = arith.constant 256 : i32
      %dma_start3A_448 = tpu.memref_slice %arg5[%rem3A_364, %dma_start3A_447] : memref<26x512xi32, #tpu.memory_space<vmem>> -> memref<1x64xi32, #tpu.memory_space<vmem>>
      %dma_start3A_449 = tpu.memref_squeeze %dma_start3A_448 : memref<1x64xi32, #tpu.memory_space<vmem>> -> memref<64xi32, #tpu.memory_space<vmem>>
      %dma_start3A_450 = arith.constant 0 : i32
      %dma_start3A_451 = arith.constant 0 : i32
      %dma_start3A_452 = tpu.memref_slice %arg7[%dma_start3A_450, %dma_start3A_451] : memref<1000x128xf32, #tpu.memory_space<vmem_shared>> -> memref<1000x128xf32, #tpu.memory_space<vmem_shared>>
      tpu.enqueue_indirect_dma source(%dma_start3A_452 : memref<1000x128xf32, #tpu.memory_space<vmem_shared>>) target(%arg12 : memref<64x128xf32, #tpu.memory_space<vmem>>) offsets(%dma_start3A_449 : memref<64xi32, #tpu.memory_space<vmem>>) semaphore(%arg16 : memref<!tpu.dma_semaphore, #tpu.memory_space<semaphore_mem>>)
      %mul3A_453 = arith.constant 16384 : i32
      %mul3A_454 = arith.muli %rem3A_377, %mul3A_453 : i32
      %add3A_455 = arith.addi %mul3A_454, %mul3A_2 : i32
      %add3A_456 = arith.constant 320 : i32
      %add3A_457 = arith.addi %add3A_455, %add3A_456 : i32
      %dma_wait3A_458 = arith.constant 0 : i32
      %dma_wait3A_459 = tpu.memref_slice %arg4[%add3A_457, %dma_wait3A_458] : memref<425984x128xf32, #tpu.memory_space<hbm>> -> memref<64x128xf32, #tpu.memory_space<hbm>>
      %dma_wait3A_460 = arith.constant 0 : i32
      %dma_wait3A_461 = tpu.memref_slice %arg4[%add3A_457, %dma_wait3A_460] : memref<425984x128xf32, #tpu.memory_space<hbm>> -> memref<64x128xf32, #tpu.memory_space<hbm>>
      tpu.wait_dma2 semaphore(%arg17 : memref<!tpu.dma_semaphore, #tpu.memory_space<semaphore_mem>>) src(%arg13 : memref<64x128xf32, #tpu.memory_space<vmem>>) dst(%dma_wait3A_461 : memref<64x128xf32, #tpu.memory_space<hbm>>)
      %dma_start3A_462 = arith.constant 320 : i32
      %dma_start3A_463 = tpu.memref_slice %arg5[%rem3A_364, %dma_start3A_462] : memref<26x512xi32, #tpu.memory_space<vmem>> -> memref<1x64xi32, #tpu.memory_space<vmem>>
      %dma_start3A_464 = tpu.memref_squeeze %dma_start3A_463 : memref<1x64xi32, #tpu.memory_space<vmem>> -> memref<64xi32, #tpu.memory_space<vmem>>
      %dma_start3A_465 = arith.constant 0 : i32
      %dma_start3A_466 = arith.constant 0 : i32
      %dma_start3A_467 = tpu.memref_slice %arg7[%dma_start3A_465, %dma_start3A_466] : memref<1000x128xf32, #tpu.memory_space<vmem_shared>> -> memref<1000x128xf32, #tpu.memory_space<vmem_shared>>
      tpu.enqueue_indirect_dma source(%dma_start3A_467 : memref<1000x128xf32, #tpu.memory_space<vmem_shared>>) target(%arg13 : memref<64x128xf32, #tpu.memory_space<vmem>>) offsets(%dma_start3A_464 : memref<64xi32, #tpu.memory_space<vmem>>) semaphore(%arg16 : memref<!tpu.dma_semaphore, #tpu.memory_space<semaphore_mem>>)
      %mul3A_468 = arith.constant 16384 : i32
      %mul3A_469 = arith.muli %rem3A_377, %mul3A_468 : i32
      %add3A_470 = arith.addi %mul3A_469, %mul3A_2 : i32
      %add3A_471 = arith.constant 384 : i32
      %add3A_472 = arith.addi %add3A_470, %add3A_471 : i32
      %dma_wait3A_473 = arith.constant 0 : i32
      %dma_wait3A_474 = tpu.memref_slice %arg4[%add3A_472, %dma_wait3A_473] : memref<425984x128xf32, #tpu.memory_space<hbm>> -> memref<64x128xf32, #tpu.memory_space<hbm>>
      %dma_wait3A_475 = arith.constant 0 : i32
      %dma_wait3A_476 = tpu.memref_slice %arg4[%add3A_472, %dma_wait3A_475] : memref<425984x128xf32, #tpu.memory_space<hbm>> -> memref<64x128xf32, #tpu.memory_space<hbm>>
      tpu.wait_dma2 semaphore(%arg17 : memref<!tpu.dma_semaphore, #tpu.memory_space<semaphore_mem>>) src(%arg14 : memref<64x128xf32, #tpu.memory_space<vmem>>) dst(%dma_wait3A_476 : memref<64x128xf32, #tpu.memory_space<hbm>>)
      %dma_start3A_477 = arith.constant 384 : i32
      %dma_start3A_478 = tpu.memref_slice %arg5[%rem3A_364, %dma_start3A_477] : memref<26x512xi32, #tpu.memory_space<vmem>> -> memref<1x64xi32, #tpu.memory_space<vmem>>
      %dma_start3A_479 = tpu.memref_squeeze %dma_start3A_478 : memref<1x64xi32, #tpu.memory_space<vmem>> -> memref<64xi32, #tpu.memory_space<vmem>>
      %dma_start3A_480 = arith.constant 0 : i32
      %dma_start3A_481 = arith.constant 0 : i32
      %dma_start3A_482 = tpu.memref_slice %arg7[%dma_start3A_480, %dma_start3A_481] : memref<1000x128xf32, #tpu.memory_space<vmem_shared>> -> memref<1000x128xf32, #tpu.memory_space<vmem_shared>>
      tpu.enqueue_indirect_dma source(%dma_start3A_482 : memref<1000x128xf32, #tpu.memory_space<vmem_shared>>) target(%arg14 : memref<64x128xf32, #tpu.memory_space<vmem>>) offsets(%dma_start3A_479 : memref<64xi32, #tpu.memory_space<vmem>>) semaphore(%arg16 : memref<!tpu.dma_semaphore, #tpu.memory_space<semaphore_mem>>)
      %mul3A_483 = arith.constant 16384 : i32
      %mul3A_484 = arith.muli %rem3A_377, %mul3A_483 : i32
      %add3A_485 = arith.addi %mul3A_484, %mul3A_2 : i32
      %add3A_486 = arith.constant 448 : i32
      %add3A_487 = arith.addi %add3A_485, %add3A_486 : i32
      %dma_wait3A_488 = arith.constant 0 : i32
      %dma_wait3A_489 = tpu.memref_slice %arg4[%add3A_487, %dma_wait3A_488] : memref<425984x128xf32, #tpu.memory_space<hbm>> -> memref<64x128xf32, #tpu.memory_space<hbm>>
      %dma_wait3A_490 = arith.constant 0 : i32
      %dma_wait3A_491 = tpu.memref_slice %arg4[%add3A_487, %dma_wait3A_490] : memref<425984x128xf32, #tpu.memory_space<hbm>> -> memref<64x128xf32, #tpu.memory_space<hbm>>
      tpu.wait_dma2 semaphore(%arg17 : memref<!tpu.dma_semaphore, #tpu.memory_space<semaphore_mem>>) src(%arg15 : memref<64x128xf32, #tpu.memory_space<vmem>>) dst(%dma_wait3A_491 : memref<64x128xf32, #tpu.memory_space<hbm>>)
      %dma_start3A_492 = arith.constant 448 : i32
      %dma_start3A_493 = tpu.memref_slice %arg5[%rem3A_364, %dma_start3A_492] : memref<26x512xi32, #tpu.memory_space<vmem>> -> memref<1x64xi32, #tpu.memory_space<vmem>>
      %dma_start3A_494 = tpu.memref_squeeze %dma_start3A_493 : memref<1x64xi32, #tpu.memory_space<vmem>> -> memref<64xi32, #tpu.memory_space<vmem>>
      %dma_start3A_495 = arith.constant 0 : i32
      %dma_start3A_496 = arith.constant 0 : i32
      %dma_start3A_497 = tpu.memref_slice %arg7[%dma_start3A_495, %dma_start3A_496] : memref<1000x128xf32, #tpu.memory_space<vmem_shared>> -> memref<1000x128xf32, #tpu.memory_space<vmem_shared>>
      tpu.enqueue_indirect_dma source(%dma_start3A_497 : memref<1000x128xf32, #tpu.memory_space<vmem_shared>>) target(%arg15 : memref<64x128xf32, #tpu.memory_space<vmem>>) offsets(%dma_start3A_494 : memref<64xi32, #tpu.memory_space<vmem>>) semaphore(%arg16 : memref<!tpu.dma_semaphore, #tpu.memory_space<semaphore_mem>>)
      %eq3A_498 = arith.constant 0 : i32
      %eq3A_499 = arith.cmpi eq, %arg1, %eq3A_498 : i32
      %lt3A = arith.constant 12 : i32
      %lt3A_500 = arith.cmpi slt, %scan3A_86, %lt3A : i32
      %and3A = arith.andi %eq3A_499, %lt3A_500 : i1
      %convert_element_type3A_501 = arith.extui %and3A : i1 to i32
      %cond3A_502 = arith.constant 0 : i32
      %cond3A_503 = arith.cmpi ne, %convert_element_type3A_501, %cond3A_502 : i32
      scf.if %cond3A_503 {
        %add3A_624 = arith.constant 1 : i32
        %add3A_625 = arith.addi %add3A_359, %add3A_624 : i32
        %mul3A_626 = arith.constant 13 : i32
        %mul3A_627 = arith.muli %arg0, %mul3A_626 : i32
        %add3A_628 = arith.addi %add3A_625, %mul3A_627 : i32
        %rem3A_629 = arith.constant 26 : i32
        %rem3A_630 = arith.remsi %add3A_628, %rem3A_629 : i32
        %mul3A_631 = arith.constant 1000 : i32
        %mul3A_632 = arith.muli %rem3A_630, %mul3A_631 : i32
        %dma_start3A_633 = arith.constant 0 : i32
        %dma_start3A_634 = tpu.memref_slice %arg3[%mul3A_632, %dma_start3A_633] : memref<26000x128xf32, #tpu.memory_space<hbm>> -> memref<1000x128xf32, #tpu.memory_space<hbm>>
        tpu.enqueue_dma source(%dma_start3A_634 : memref<1000x128xf32, #tpu.memory_space<hbm>>) target(%arg6 : memref<1000x128xf32, #tpu.memory_space<vmem_shared>>) target_semaphore(%arg18 : memref<!tpu.dma_semaphore, #tpu.memory_space<semaphore_mem>>)
      } else {
      }
      %dma_wait3A_504 = arith.constant 0 : i32
      %dma_wait3A_505 = tpu.memref_slice %arg5[%rem3A_364, %dma_wait3A_504] : memref<26x512xi32, #tpu.memory_space<vmem>> -> memref<1x64xi32, #tpu.memory_space<vmem>>
      %dma_wait3A_506 = tpu.memref_squeeze %dma_wait3A_505 : memref<1x64xi32, #tpu.memory_space<vmem>> -> memref<64xi32, #tpu.memory_space<vmem>>
      %dma_wait3A_507 = arith.constant 0 : i32
      %dma_wait3A_508 = arith.constant 0 : i32
      %dma_wait3A_509 = tpu.memref_slice %arg7[%dma_wait3A_507, %dma_wait3A_508] : memref<1000x128xf32, #tpu.memory_space<vmem_shared>> -> memref<1000x128xf32, #tpu.memory_space<vmem_shared>>
      tpu.wait_indirect_dma semaphore(%arg16 : memref<!tpu.dma_semaphore, #tpu.memory_space<semaphore_mem>>) src(%dma_wait3A_509 : memref<1000x128xf32, #tpu.memory_space<vmem_shared>>) dst(%arg8 : memref<64x128xf32, #tpu.memory_space<vmem>>)
      %mul3A_510 = arith.constant 16384 : i32
      %mul3A_511 = arith.muli %rem3A_364, %mul3A_510 : i32
      %add3A_512 = arith.addi %mul3A_511, %mul3A_2 : i32
      %add3A_513 = arith.constant 0 : i32
      %add3A_514 = arith.addi %add3A_512, %add3A_513 : i32
      %dma_start3A_515 = arith.constant 0 : i32
      %dma_start3A_516 = tpu.memref_slice %arg4[%add3A_514, %dma_start3A_515] : memref<425984x128xf32, #tpu.memory_space<hbm>> -> memref<64x128xf32, #tpu.memory_space<hbm>>
      %dma_start3A_517 = arith.constant 0 : i32
      %dma_start3A_518 = tpu.memref_slice %arg4[%add3A_514, %dma_start3A_517] : memref<425984x128xf32, #tpu.memory_space<hbm>> -> memref<64x128xf32, #tpu.memory_space<hbm>>
      tpu.enqueue_dma source(%arg8 : memref<64x128xf32, #tpu.memory_space<vmem>>) target(%dma_start3A_518 : memref<64x128xf32, #tpu.memory_space<hbm>>) target_semaphore(%arg17 : memref<!tpu.dma_semaphore, #tpu.memory_space<semaphore_mem>>)
      %dma_wait3A_519 = arith.constant 64 : i32
      %dma_wait3A_520 = tpu.memref_slice %arg5[%rem3A_364, %dma_wait3A_519] : memref<26x512xi32, #tpu.memory_space<vmem>> -> memref<1x64xi32, #tpu.memory_space<vmem>>
      %dma_wait3A_521 = tpu.memref_squeeze %dma_wait3A_520 : memref<1x64xi32, #tpu.memory_space<vmem>> -> memref<64xi32, #tpu.memory_space<vmem>>
      %dma_wait3A_522 = arith.constant 0 : i32
      %dma_wait3A_523 = arith.constant 0 : i32
      %dma_wait3A_524 = tpu.memref_slice %arg7[%dma_wait3A_522, %dma_wait3A_523] : memref<1000x128xf32, #tpu.memory_space<vmem_shared>> -> memref<1000x128xf32, #tpu.memory_space<vmem_shared>>
      tpu.wait_indirect_dma semaphore(%arg16 : memref<!tpu.dma_semaphore, #tpu.memory_space<semaphore_mem>>) src(%dma_wait3A_524 : memref<1000x128xf32, #tpu.memory_space<vmem_shared>>) dst(%arg9 : memref<64x128xf32, #tpu.memory_space<vmem>>)
      %mul3A_525 = arith.constant 16384 : i32
      %mul3A_526 = arith.muli %rem3A_364, %mul3A_525 : i32
      %add3A_527 = arith.addi %mul3A_526, %mul3A_2 : i32
      %add3A_528 = arith.constant 64 : i32
      %add3A_529 = arith.addi %add3A_527, %add3A_528 : i32
      %dma_start3A_530 = arith.constant 0 : i32
      %dma_start3A_531 = tpu.memref_slice %arg4[%add3A_529, %dma_start3A_530] : memref<425984x128xf32, #tpu.memory_space<hbm>> -> memref<64x128xf32, #tpu.memory_space<hbm>>
      %dma_start3A_532 = arith.constant 0 : i32
      %dma_start3A_533 = tpu.memref_slice %arg4[%add3A_529, %dma_start3A_532] : memref<425984x128xf32, #tpu.memory_space<hbm>> -> memref<64x128xf32, #tpu.memory_space<hbm>>
      tpu.enqueue_dma source(%arg9 : memref<64x128xf32, #tpu.memory_space<vmem>>) target(%dma_start3A_533 : memref<64x128xf32, #tpu.memory_space<hbm>>) target_semaphore(%arg17 : memref<!tpu.dma_semaphore, #tpu.memory_space<semaphore_mem>>)
      %dma_wait3A_534 = arith.constant 128 : i32
      %dma_wait3A_535 = tpu.memref_slice %arg5[%rem3A_364, %dma_wait3A_534] : memref<26x512xi32, #tpu.memory_space<vmem>> -> memref<1x64xi32, #tpu.memory_space<vmem>>
      %dma_wait3A_536 = tpu.memref_squeeze %dma_wait3A_535 : memref<1x64xi32, #tpu.memory_space<vmem>> -> memref<64xi32, #tpu.memory_space<vmem>>
      %dma_wait3A_537 = arith.constant 0 : i32
      %dma_wait3A_538 = arith.constant 0 : i32
      %dma_wait3A_539 = tpu.memref_slice %arg7[%dma_wait3A_537, %dma_wait3A_538] : memref<1000x128xf32, #tpu.memory_space<vmem_shared>> -> memref<1000x128xf32, #tpu.memory_space<vmem_shared>>
      tpu.wait_indirect_dma semaphore(%arg16 : memref<!tpu.dma_semaphore, #tpu.memory_space<semaphore_mem>>) src(%dma_wait3A_539 : memref<1000x128xf32, #tpu.memory_space<vmem_shared>>) dst(%arg10 : memref<64x128xf32, #tpu.memory_space<vmem>>)
      %mul3A_540 = arith.constant 16384 : i32
      %mul3A_541 = arith.muli %rem3A_364, %mul3A_540 : i32
      %add3A_542 = arith.addi %mul3A_541, %mul3A_2 : i32
      %add3A_543 = arith.constant 128 : i32
      %add3A_544 = arith.addi %add3A_542, %add3A_543 : i32
      %dma_start3A_545 = arith.constant 0 : i32
      %dma_start3A_546 = tpu.memref_slice %arg4[%add3A_544, %dma_start3A_545] : memref<425984x128xf32, #tpu.memory_space<hbm>> -> memref<64x128xf32, #tpu.memory_space<hbm>>
      %dma_start3A_547 = arith.constant 0 : i32
      %dma_start3A_548 = tpu.memref_slice %arg4[%add3A_544, %dma_start3A_547] : memref<425984x128xf32, #tpu.memory_space<hbm>> -> memref<64x128xf32, #tpu.memory_space<hbm>>
      tpu.enqueue_dma source(%arg10 : memref<64x128xf32, #tpu.memory_space<vmem>>) target(%dma_start3A_548 : memref<64x128xf32, #tpu.memory_space<hbm>>) target_semaphore(%arg17 : memref<!tpu.dma_semaphore, #tpu.memory_space<semaphore_mem>>)
      %dma_wait3A_549 = arith.constant 192 : i32
      %dma_wait3A_550 = tpu.memref_slice %arg5[%rem3A_364, %dma_wait3A_549] : memref<26x512xi32, #tpu.memory_space<vmem>> -> memref<1x64xi32, #tpu.memory_space<vmem>>
      %dma_wait3A_551 = tpu.memref_squeeze %dma_wait3A_550 : memref<1x64xi32, #tpu.memory_space<vmem>> -> memref<64xi32, #tpu.memory_space<vmem>>
      %dma_wait3A_552 = arith.constant 0 : i32
      %dma_wait3A_553 = arith.constant 0 : i32
      %dma_wait3A_554 = tpu.memref_slice %arg7[%dma_wait3A_552, %dma_wait3A_553] : memref<1000x128xf32, #tpu.memory_space<vmem_shared>> -> memref<1000x128xf32, #tpu.memory_space<vmem_shared>>
      tpu.wait_indirect_dma semaphore(%arg16 : memref<!tpu.dma_semaphore, #tpu.memory_space<semaphore_mem>>) src(%dma_wait3A_554 : memref<1000x128xf32, #tpu.memory_space<vmem_shared>>) dst(%arg11 : memref<64x128xf32, #tpu.memory_space<vmem>>)
      %mul3A_555 = arith.constant 16384 : i32
      %mul3A_556 = arith.muli %rem3A_364, %mul3A_555 : i32
      %add3A_557 = arith.addi %mul3A_556, %mul3A_2 : i32
      %add3A_558 = arith.constant 192 : i32
      %add3A_559 = arith.addi %add3A_557, %add3A_558 : i32
      %dma_start3A_560 = arith.constant 0 : i32
      %dma_start3A_561 = tpu.memref_slice %arg4[%add3A_559, %dma_start3A_560] : memref<425984x128xf32, #tpu.memory_space<hbm>> -> memref<64x128xf32, #tpu.memory_space<hbm>>
      %dma_start3A_562 = arith.constant 0 : i32
      %dma_start3A_563 = tpu.memref_slice %arg4[%add3A_559, %dma_start3A_562] : memref<425984x128xf32, #tpu.memory_space<hbm>> -> memref<64x128xf32, #tpu.memory_space<hbm>>
      tpu.enqueue_dma source(%arg11 : memref<64x128xf32, #tpu.memory_space<vmem>>) target(%dma_start3A_563 : memref<64x128xf32, #tpu.memory_space<hbm>>) target_semaphore(%arg17 : memref<!tpu.dma_semaphore, #tpu.memory_space<semaphore_mem>>)
      %dma_wait3A_564 = arith.constant 256 : i32
      %dma_wait3A_565 = tpu.memref_slice %arg5[%rem3A_364, %dma_wait3A_564] : memref<26x512xi32, #tpu.memory_space<vmem>> -> memref<1x64xi32, #tpu.memory_space<vmem>>
      %dma_wait3A_566 = tpu.memref_squeeze %dma_wait3A_565 : memref<1x64xi32, #tpu.memory_space<vmem>> -> memref<64xi32, #tpu.memory_space<vmem>>
      %dma_wait3A_567 = arith.constant 0 : i32
      %dma_wait3A_568 = arith.constant 0 : i32
      %dma_wait3A_569 = tpu.memref_slice %arg7[%dma_wait3A_567, %dma_wait3A_568] : memref<1000x128xf32, #tpu.memory_space<vmem_shared>> -> memref<1000x128xf32, #tpu.memory_space<vmem_shared>>
      tpu.wait_indirect_dma semaphore(%arg16 : memref<!tpu.dma_semaphore, #tpu.memory_space<semaphore_mem>>) src(%dma_wait3A_569 : memref<1000x128xf32, #tpu.memory_space<vmem_shared>>) dst(%arg12 : memref<64x128xf32, #tpu.memory_space<vmem>>)
      %mul3A_570 = arith.constant 16384 : i32
      %mul3A_571 = arith.muli %rem3A_364, %mul3A_570 : i32
      %add3A_572 = arith.addi %mul3A_571, %mul3A_2 : i32
      %add3A_573 = arith.constant 256 : i32
      %add3A_574 = arith.addi %add3A_572, %add3A_573 : i32
      %dma_start3A_575 = arith.constant 0 : i32
      %dma_start3A_576 = tpu.memref_slice %arg4[%add3A_574, %dma_start3A_575] : memref<425984x128xf32, #tpu.memory_space<hbm>> -> memref<64x128xf32, #tpu.memory_space<hbm>>
      %dma_start3A_577 = arith.constant 0 : i32
      %dma_start3A_578 = tpu.memref_slice %arg4[%add3A_574, %dma_start3A_577] : memref<425984x128xf32, #tpu.memory_space<hbm>> -> memref<64x128xf32, #tpu.memory_space<hbm>>
      tpu.enqueue_dma source(%arg12 : memref<64x128xf32, #tpu.memory_space<vmem>>) target(%dma_start3A_578 : memref<64x128xf32, #tpu.memory_space<hbm>>) target_semaphore(%arg17 : memref<!tpu.dma_semaphore, #tpu.memory_space<semaphore_mem>>)
      %dma_wait3A_579 = arith.constant 320 : i32
      %dma_wait3A_580 = tpu.memref_slice %arg5[%rem3A_364, %dma_wait3A_579] : memref<26x512xi32, #tpu.memory_space<vmem>> -> memref<1x64xi32, #tpu.memory_space<vmem>>
      %dma_wait3A_581 = tpu.memref_squeeze %dma_wait3A_580 : memref<1x64xi32, #tpu.memory_space<vmem>> -> memref<64xi32, #tpu.memory_space<vmem>>
      %dma_wait3A_582 = arith.constant 0 : i32
      %dma_wait3A_583 = arith.constant 0 : i32
      %dma_wait3A_584 = tpu.memref_slice %arg7[%dma_wait3A_582, %dma_wait3A_583] : memref<1000x128xf32, #tpu.memory_space<vmem_shared>> -> memref<1000x128xf32, #tpu.memory_space<vmem_shared>>
      tpu.wait_indirect_dma semaphore(%arg16 : memref<!tpu.dma_semaphore, #tpu.memory_space<semaphore_mem>>) src(%dma_wait3A_584 : memref<1000x128xf32, #tpu.memory_space<vmem_shared>>) dst(%arg13 : memref<64x128xf32, #tpu.memory_space<vmem>>)
      %mul3A_585 = arith.constant 16384 : i32
      %mul3A_586 = arith.muli %rem3A_364, %mul3A_585 : i32
      %add3A_587 = arith.addi %mul3A_586, %mul3A_2 : i32
      %add3A_588 = arith.constant 320 : i32
      %add3A_589 = arith.addi %add3A_587, %add3A_588 : i32
      %dma_start3A_590 = arith.constant 0 : i32
      %dma_start3A_591 = tpu.memref_slice %arg4[%add3A_589, %dma_start3A_590] : memref<425984x128xf32, #tpu.memory_space<hbm>> -> memref<64x128xf32, #tpu.memory_space<hbm>>
      %dma_start3A_592 = arith.constant 0 : i32
      %dma_start3A_593 = tpu.memref_slice %arg4[%add3A_589, %dma_start3A_592] : memref<425984x128xf32, #tpu.memory_space<hbm>> -> memref<64x128xf32, #tpu.memory_space<hbm>>
      tpu.enqueue_dma source(%arg13 : memref<64x128xf32, #tpu.memory_space<vmem>>) target(%dma_start3A_593 : memref<64x128xf32, #tpu.memory_space<hbm>>) target_semaphore(%arg17 : memref<!tpu.dma_semaphore, #tpu.memory_space<semaphore_mem>>)
      %dma_wait3A_594 = arith.constant 384 : i32
      %dma_wait3A_595 = tpu.memref_slice %arg5[%rem3A_364, %dma_wait3A_594] : memref<26x512xi32, #tpu.memory_space<vmem>> -> memref<1x64xi32, #tpu.memory_space<vmem>>
      %dma_wait3A_596 = tpu.memref_squeeze %dma_wait3A_595 : memref<1x64xi32, #tpu.memory_space<vmem>> -> memref<64xi32, #tpu.memory_space<vmem>>
      %dma_wait3A_597 = arith.constant 0 : i32
      %dma_wait3A_598 = arith.constant 0 : i32
      %dma_wait3A_599 = tpu.memref_slice %arg7[%dma_wait3A_597, %dma_wait3A_598] : memref<1000x128xf32, #tpu.memory_space<vmem_shared>> -> memref<1000x128xf32, #tpu.memory_space<vmem_shared>>
      tpu.wait_indirect_dma semaphore(%arg16 : memref<!tpu.dma_semaphore, #tpu.memory_space<semaphore_mem>>) src(%dma_wait3A_599 : memref<1000x128xf32, #tpu.memory_space<vmem_shared>>) dst(%arg14 : memref<64x128xf32, #tpu.memory_space<vmem>>)
      %mul3A_600 = arith.constant 16384 : i32
      %mul3A_601 = arith.muli %rem3A_364, %mul3A_600 : i32
      %add3A_602 = arith.addi %mul3A_601, %mul3A_2 : i32
      %add3A_603 = arith.constant 384 : i32
      %add3A_604 = arith.addi %add3A_602, %add3A_603 : i32
      %dma_start3A_605 = arith.constant 0 : i32
      %dma_start3A_606 = tpu.memref_slice %arg4[%add3A_604, %dma_start3A_605] : memref<425984x128xf32, #tpu.memory_space<hbm>> -> memref<64x128xf32, #tpu.memory_space<hbm>>
      %dma_start3A_607 = arith.constant 0 : i32
      %dma_start3A_608 = tpu.memref_slice %arg4[%add3A_604, %dma_start3A_607] : memref<425984x128xf32, #tpu.memory_space<hbm>> -> memref<64x128xf32, #tpu.memory_space<hbm>>
      tpu.enqueue_dma source(%arg14 : memref<64x128xf32, #tpu.memory_space<vmem>>) target(%dma_start3A_608 : memref<64x128xf32, #tpu.memory_space<hbm>>) target_semaphore(%arg17 : memref<!tpu.dma_semaphore, #tpu.memory_space<semaphore_mem>>)
      %dma_wait3A_609 = arith.constant 448 : i32
      %dma_wait3A_610 = tpu.memref_slice %arg5[%rem3A_364, %dma_wait3A_609] : memref<26x512xi32, #tpu.memory_space<vmem>> -> memref<1x64xi32, #tpu.memory_space<vmem>>
      %dma_wait3A_611 = tpu.memref_squeeze %dma_wait3A_610 : memref<1x64xi32, #tpu.memory_space<vmem>> -> memref<64xi32, #tpu.memory_space<vmem>>
      %dma_wait3A_612 = arith.constant 0 : i32
      %dma_wait3A_613 = arith.constant 0 : i32
      %dma_wait3A_614 = tpu.memref_slice %arg7[%dma_wait3A_612, %dma_wait3A_613] : memref<1000x128xf32, #tpu.memory_space<vmem_shared>> -> memref<1000x128xf32, #tpu.memory_space<vmem_shared>>
      tpu.wait_indirect_dma semaphore(%arg16 : memref<!tpu.dma_semaphore, #tpu.memory_space<semaphore_mem>>) src(%dma_wait3A_614 : memref<1000x128xf32, #tpu.memory_space<vmem_shared>>) dst(%arg15 : memref<64x128xf32, #tpu.memory_space<vmem>>)
      %mul3A_615 = arith.constant 16384 : i32
      %mul3A_616 = arith.muli %rem3A_364, %mul3A_615 : i32
      %add3A_617 = arith.addi %mul3A_616, %mul3A_2 : i32
      %add3A_618 = arith.constant 448 : i32
      %add3A_619 = arith.addi %add3A_617, %add3A_618 : i32
      %dma_start3A_620 = arith.constant 0 : i32
      %dma_start3A_621 = tpu.memref_slice %arg4[%add3A_619, %dma_start3A_620] : memref<425984x128xf32, #tpu.memory_space<hbm>> -> memref<64x128xf32, #tpu.memory_space<hbm>>
      %dma_start3A_622 = arith.constant 0 : i32
      %dma_start3A_623 = tpu.memref_slice %arg4[%add3A_619, %dma_start3A_622] : memref<425984x128xf32, #tpu.memory_space<hbm>> -> memref<64x128xf32, #tpu.memory_space<hbm>>
      tpu.enqueue_dma source(%arg15 : memref<64x128xf32, #tpu.memory_space<vmem>>) target(%dma_start3A_623 : memref<64x128xf32, #tpu.memory_space<hbm>>) target_semaphore(%arg17 : memref<!tpu.dma_semaphore, #tpu.memory_space<semaphore_mem>>)
    }
    %scan3A_9 = arith.constant 13 : i32
    %mul3A_10 = arith.constant 13 : i32
    %mul3A_11 = arith.muli %arg0, %mul3A_10 : i32
    %add3A_12 = arith.constant 25 : i32
    %add3A_13 = arith.addi %add3A_12, %mul3A_11 : i32
    %rem3A = arith.constant 26 : i32
    %rem3A_14 = arith.remsi %add3A_13, %rem3A : i32
    %mul3A_15 = arith.constant 16384 : i32
    %mul3A_16 = arith.muli %rem3A_14, %mul3A_15 : i32
    %add3A_17 = arith.addi %mul3A_16, %mul3A_2 : i32
    %add3A_18 = arith.constant 0 : i32
    %add3A_19 = arith.addi %add3A_17, %add3A_18 : i32
    %dma_wait3A = arith.constant 0 : i32
    %dma_wait3A_20 = tpu.memref_slice %arg4[%add3A_19, %dma_wait3A] : memref<425984x128xf32, #tpu.memory_space<hbm>> -> memref<64x128xf32, #tpu.memory_space<hbm>>
    %dma_wait3A_21 = arith.constant 0 : i32
    %dma_wait3A_22 = tpu.memref_slice %arg4[%add3A_19, %dma_wait3A_21] : memref<425984x128xf32, #tpu.memory_space<hbm>> -> memref<64x128xf32, #tpu.memory_space<hbm>>
    tpu.wait_dma2 semaphore(%arg17 : memref<!tpu.dma_semaphore, #tpu.memory_space<semaphore_mem>>) src(%arg8 : memref<64x128xf32, #tpu.memory_space<vmem>>) dst(%dma_wait3A_22 : memref<64x128xf32, #tpu.memory_space<hbm>>)
    %mul3A_23 = arith.constant 16384 : i32
    %mul3A_24 = arith.muli %rem3A_14, %mul3A_23 : i32
    %add3A_25 = arith.addi %mul3A_24, %mul3A_2 : i32
    %add3A_26 = arith.constant 64 : i32
    %add3A_27 = arith.addi %add3A_25, %add3A_26 : i32
    %dma_wait3A_28 = arith.constant 0 : i32
    %dma_wait3A_29 = tpu.memref_slice %arg4[%add3A_27, %dma_wait3A_28] : memref<425984x128xf32, #tpu.memory_space<hbm>> -> memref<64x128xf32, #tpu.memory_space<hbm>>
    %dma_wait3A_30 = arith.constant 0 : i32
    %dma_wait3A_31 = tpu.memref_slice %arg4[%add3A_27, %dma_wait3A_30] : memref<425984x128xf32, #tpu.memory_space<hbm>> -> memref<64x128xf32, #tpu.memory_space<hbm>>
    tpu.wait_dma2 semaphore(%arg17 : memref<!tpu.dma_semaphore, #tpu.memory_space<semaphore_mem>>) src(%arg9 : memref<64x128xf32, #tpu.memory_space<vmem>>) dst(%dma_wait3A_31 : memref<64x128xf32, #tpu.memory_space<hbm>>)
    %mul3A_32 = arith.constant 16384 : i32
    %mul3A_33 = arith.muli %rem3A_14, %mul3A_32 : i32
    %add3A_34 = arith.addi %mul3A_33, %mul3A_2 : i32
    %add3A_35 = arith.constant 128 : i32
    %add3A_36 = arith.addi %add3A_34, %add3A_35 : i32
    %dma_wait3A_37 = arith.constant 0 : i32
    %dma_wait3A_38 = tpu.memref_slice %arg4[%add3A_36, %dma_wait3A_37] : memref<425984x128xf32, #tpu.memory_space<hbm>> -> memref<64x128xf32, #tpu.memory_space<hbm>>
    %dma_wait3A_39 = arith.constant 0 : i32
    %dma_wait3A_40 = tpu.memref_slice %arg4[%add3A_36, %dma_wait3A_39] : memref<425984x128xf32, #tpu.memory_space<hbm>> -> memref<64x128xf32, #tpu.memory_space<hbm>>
    tpu.wait_dma2 semaphore(%arg17 : memref<!tpu.dma_semaphore, #tpu.memory_space<semaphore_mem>>) src(%arg10 : memref<64x128xf32, #tpu.memory_space<vmem>>) dst(%dma_wait3A_40 : memref<64x128xf32, #tpu.memory_space<hbm>>)
    %mul3A_41 = arith.constant 16384 : i32
    %mul3A_42 = arith.muli %rem3A_14, %mul3A_41 : i32
    %add3A_43 = arith.addi %mul3A_42, %mul3A_2 : i32
    %add3A_44 = arith.constant 192 : i32
    %add3A_45 = arith.addi %add3A_43, %add3A_44 : i32
    %dma_wait3A_46 = arith.constant 0 : i32
    %dma_wait3A_47 = tpu.memref_slice %arg4[%add3A_45, %dma_wait3A_46] : memref<425984x128xf32, #tpu.memory_space<hbm>> -> memref<64x128xf32, #tpu.memory_space<hbm>>
    %dma_wait3A_48 = arith.constant 0 : i32
    %dma_wait3A_49 = tpu.memref_slice %arg4[%add3A_45, %dma_wait3A_48] : memref<425984x128xf32, #tpu.memory_space<hbm>> -> memref<64x128xf32, #tpu.memory_space<hbm>>
    tpu.wait_dma2 semaphore(%arg17 : memref<!tpu.dma_semaphore, #tpu.memory_space<semaphore_mem>>) src(%arg11 : memref<64x128xf32, #tpu.memory_space<vmem>>) dst(%dma_wait3A_49 : memref<64x128xf32, #tpu.memory_space<hbm>>)
    %mul3A_50 = arith.constant 16384 : i32
    %mul3A_51 = arith.muli %rem3A_14, %mul3A_50 : i32
    %add3A_52 = arith.addi %mul3A_51, %mul3A_2 : i32
    %add3A_53 = arith.constant 256 : i32
    %add3A_54 = arith.addi %add3A_52, %add3A_53 : i32
    %dma_wait3A_55 = arith.constant 0 : i32
    %dma_wait3A_56 = tpu.memref_slice %arg4[%add3A_54, %dma_wait3A_55] : memref<425984x128xf32, #tpu.memory_space<hbm>> -> memref<64x128xf32, #tpu.memory_space<hbm>>
    %dma_wait3A_57 = arith.constant 0 : i32
    %dma_wait3A_58 = tpu.memref_slice %arg4[%add3A_54, %dma_wait3A_57] : memref<425984x128xf32, #tpu.memory_space<hbm>> -> memref<64x128xf32, #tpu.memory_space<hbm>>
    tpu.wait_dma2 semaphore(%arg17 : memref<!tpu.dma_semaphore, #tpu.memory_space<semaphore_mem>>) src(%arg12 : memref<64x128xf32, #tpu.memory_space<vmem>>) dst(%dma_wait3A_58 : memref<64x128xf32, #tpu.memory_space<hbm>>)
    %mul3A_59 = arith.constant 16384 : i32
    %mul3A_60 = arith.muli %rem3A_14, %mul3A_59 : i32
    %add3A_61 = arith.addi %mul3A_60, %mul3A_2 : i32
    %add3A_62 = arith.constant 320 : i32
    %add3A_63 = arith.addi %add3A_61, %add3A_62 : i32
    %dma_wait3A_64 = arith.constant 0 : i32
    %dma_wait3A_65 = tpu.memref_slice %arg4[%add3A_63, %dma_wait3A_64] : memref<425984x128xf32, #tpu.memory_space<hbm>> -> memref<64x128xf32, #tpu.memory_space<hbm>>
    %dma_wait3A_66 = arith.constant 0 : i32
    %dma_wait3A_67 = tpu.memref_slice %arg4[%add3A_63, %dma_wait3A_66] : memref<425984x128xf32, #tpu.memory_space<hbm>> -> memref<64x128xf32, #tpu.memory_space<hbm>>
    tpu.wait_dma2 semaphore(%arg17 : memref<!tpu.dma_semaphore, #tpu.memory_space<semaphore_mem>>) src(%arg13 : memref<64x128xf32, #tpu.memory_space<vmem>>) dst(%dma_wait3A_67 : memref<64x128xf32, #tpu.memory_space<hbm>>)
    %mul3A_68 = arith.constant 16384 : i32
    %mul3A_69 = arith.muli %rem3A_14, %mul3A_68 : i32
    %add3A_70 = arith.addi %mul3A_69, %mul3A_2 : i32
    %add3A_71 = arith.constant 384 : i32
    %add3A_72 = arith.addi %add3A_70, %add3A_71 : i32
    %dma_wait3A_73 = arith.constant 0 : i32
    %dma_wait3A_74 = tpu.memref_slice %arg4[%add3A_72, %dma_wait3A_73] : memref<425984x128xf32, #tpu.memory_space<hbm>> -> memref<64x128xf32, #tpu.memory_space<hbm>>
    %dma_wait3A_75 = arith.constant 0 : i32
    %dma_wait3A_76 = tpu.memref_slice %arg4[%add3A_72, %dma_wait3A_75] : memref<425984x128xf32, #tpu.memory_space<hbm>> -> memref<64x128xf32, #tpu.memory_space<hbm>>
    tpu.wait_dma2 semaphore(%arg17 : memref<!tpu.dma_semaphore, #tpu.memory_space<semaphore_mem>>) src(%arg14 : memref<64x128xf32, #tpu.memory_space<vmem>>) dst(%dma_wait3A_76 : memref<64x128xf32, #tpu.memory_space<hbm>>)
    %mul3A_77 = arith.constant 16384 : i32
    %mul3A_78 = arith.muli %rem3A_14, %mul3A_77 : i32
    %add3A_79 = arith.addi %mul3A_78, %mul3A_2 : i32
    %add3A_80 = arith.constant 448 : i32
    %add3A_81 = arith.addi %add3A_79, %add3A_80 : i32
    %dma_wait3A_82 = arith.constant 0 : i32
    %dma_wait3A_83 = tpu.memref_slice %arg4[%add3A_81, %dma_wait3A_82] : memref<425984x128xf32, #tpu.memory_space<hbm>> -> memref<64x128xf32, #tpu.memory_space<hbm>>
    %dma_wait3A_84 = arith.constant 0 : i32
    %dma_wait3A_85 = tpu.memref_slice %arg4[%add3A_81, %dma_wait3A_84] : memref<425984x128xf32, #tpu.memory_space<hbm>> -> memref<64x128xf32, #tpu.memory_space<hbm>>
    tpu.wait_dma2 semaphore(%arg17 : memref<!tpu.dma_semaphore, #tpu.memory_space<semaphore_mem>>) src(%arg15 : memref<64x128xf32, #tpu.memory_space<vmem>>) dst(%dma_wait3A_85 : memref<64x128xf32, #tpu.memory_space<hbm>>)
    return
  }
}

</mosaic_0001>

<sc_bundles>
// kernel: kernel.3.cloned.1.call-start
scs
__scs_entry_jumppad:
0x0: {  	(pc) =	sbr.rel $0x88, $3  }
0x1: {  	(tag) =	ssettag $0x0;
	lr =	simm.s32 $0x1  }
0x2: {  	[smem:$0x3F9F] =	sst lr;
	_ =	strace $0xD0000000  }
0x3: {  	_ = 	snop  }
0x4: {  	_ = 	snop  }
0x5: {  	_ = 	snop  }
0x6: {  	_ = 	snop  }
0x7: {  	_ = 	snop  }
__scs_overlays_trampoline_lowered:
0x8: {  	[smem:$0x3FAE] =	sst s0  }
0x9: {  	[smem:$0x3FAF] =	sst s1  }
0xa: {  	[smem:$0x3FB0] =	sst s2  }
0xb: {  	[smem:$0x3FB1] =	sst s3  }
0xc: {  	[smem:$0x3FB2] =	sst s4  }
0xd: {  	[smem:$0x3FB3] =	sst s5  }
0xe: {  	[smem:$0x3FB4] =	sst s6  }
0xf: {  	[smem:$0x3FB5] =	sst s7  }
0x10: {  	[smem:$0x3FB6] =	sst s8  }
0x11: {  	[smem:$0x3FB7] =	sst s9;
	s0 =	simm.s32 @!p0 $0x0  }
0x12: {  	s1 =	sld [smem:$0x3F9D];
	s0 =	simm.s32 @p0 $0x1  }
0x13: {  	[smem:$0x3FB8] =	sst s0;
	s0 =	simm.s32 @!p1 $0x0  }
0x14: {  	s2 =	sld [smem:$0x3F9C];
	s0 =	simm.s32 @p1 $0x1  }
0x15: {  	[smem:$0x3FB9] =	sst s0;
	s0 =	simm.s32 @!p2 $0x0  }
0x16: {  	s3 =	sld [smem:$0x3FDB];
	s0 =	simm.s32 @p2 $0x1  }
0x17: {  	s4 =	simm.s32 $0x1BF5;
	[smem:$0x3FBB] =	sst s0  }
0x18: {  	s0 =	sld [smem:$0x3F9E];
	_ =	swait.ge [sflag:s4], $0x0  }
0x19: {  	s7 =	sld [smem:$0x3F9F]  }
0x1a: {  	s8 =	sadd.s32 $0xFFFFE003, lr  }
0x1b: {  	s9 =	sadd.s32 $0xFFFFFEF7, lr;
	s5 =	simm.s32 $0xFFFFFFFF;
	p2 =	slt.u32 s8, $0xFFFFF086  }
0x1c: {  	p1 =	slt.u32 s9, $0xF7A;
	s5 =	simm.s32 @!p2 $0x0  }
0x1d: {  	s5 =	simm.s32 @p1 $0x1;
	p0 =	seq.s32 s7, s2  }
0x1e: {  	s7 =	smul.u32 @!p0 $0xF7A, s2;
	p2 =	seq.s32 @!p0 s5, $0x0  }
0x1f: {  	s9 =	smul.u32 $0xF7A, s1;
	s8 =	simm.s32 @!p0 $0x1BF5;
	p2 =	por !p2, p0  }
0x20: {  	[sflag:s8] =	ssyncset.s32 @!p0 $0xFFFFF086;
	s6 =	sadd.s32 @!p0 s3, s7;
	s7 =	simm.s32 @!p0 $0x108  }
0x21: {  	s3 =	sadd.s32 s3, s9;
	s6 =	sadd.s32 @!p0 $0x88, s6;
	s7 =	simm.s32 @p2 $0x1082  }
0x22: {  	[simem:s7], [sflag:s8] =	dma.local @!p0 [hbm:s6], $0xF7A  }
0x23: {  	s9 =	sor.u32 $0xD0000000, s2;
	s6 =	simm.s32 $0x108;
	_ =	swait.ge @!p0 [sflag:s8], $0x0  }
0x24: {  	s3 =	sadd.s32 $0x88, s3;
	s6 =	simm.s32 @!p1 $0x1082;
	[sflag:s4] =	ssyncset.s32 $0xFFFFF086  }
0x25: {  	[simem:s6], [sflag:s4] =	dma.local [hbm:s3], $0xF7A  }
0x26: {  	[smem:$0x3F9F] =	sst s1;
	(tag) =	ssettag s2;
	_ =	strace s9  }
0x27: {  	s1 =	sld [smem:$0x3FAF]  }
0x28: {  	s2 =	sld [smem:$0x3FB0]  }
0x29: {  	s4 =	sld [smem:$0x3FB2]  }
0x2a: {  	p0 =	seq.s32 s5, $0x0;
	s5 =	sld [smem:$0x3FB3]  }
0x2b: {  	s6 =	sld [smem:$0x3FB4]  }
0x2c: {  	s7 =	sld [smem:$0x3FB5]  }
0x2d: {  	s3 =	simm.s32 $0x108;
	s8 =	sld [smem:$0x3FB6]  }
0x2e: {  	s3 =	simm.s32 @!p0 $0x1082;
	s9 =	sld [smem:$0x3FB7]  }
0x2f: {  	lr =	sadd.s32 s0, s3;
	s0 =	sld [smem:$0x3FAE]  }
0x30: {  	s3 =	sld [smem:$0x3FB1]  }
0x31: {  	[smem:$0x3FBA] =	sst s10  }
0x32: {  	s10 =	sld [smem:$0x3FB8];
	_ =	sdelay $0x3  }
0x33: {  	p0 =	seq.s32 s10, $0x1;
	s10 =	sld [smem:$0x3FBA];
	_ =	sdelay $0x3  }
0x34: {  	[smem:$0x3FBA] =	sst s10  }
0x35: {  	s10 =	sld [smem:$0x3FB9];
	_ =	sdelay $0x3  }
0x36: {  	p1 =	seq.s32 s10, $0x1;
	s10 =	sld [smem:$0x3FBA];
	_ =	sdelay $0x3  }
0x37: {  	[smem:$0x3FBA] =	sst s10  }
0x38: {  	s10 =	sld [smem:$0x3FBB]  }
0x39: {  	_ = 	snop;
	(pc) =	sbr.ind lr, $3  }
0x3a: {  	_ = 	snop  }
0x3b: {  	_ = 	snop  }
0x3c: {  	p2 =	seq.s32 s10, $0x1;
	s10 =	sld [smem:$0x3FBA]  }
0x3d: {  	_ =	shalt  }
0x3e: {  	_ =	shalt  }
0x3f: {  	_ =	shalt  }
0x40: {  	_ =	shalt  }
0x41: {  	_ =	shalt  }
0x42: {  	_ =	shalt  }
0x43: {  	_ =	shalt  }
0x44: {  	_ =	shalt  }
0x45: {  	_ =	shalt  }
0x46: {  	_ =	shalt  }
0x47: {  	_ =	shalt  }
0x48: {  	_ =	shalt  }
0x49: {  	_ =	shalt  }
0x4a: {  	_ =	shalt  }
0x4b: {  	_ =	shalt  }
0x4c: {  	_ =	shalt  }
0x4d: {  	_ =	shalt  }
0x4e: {  	_ =	shalt  }
0x4f: {  	_ =	shalt  }
0x50: {  	_ =	shalt  }
0x51: {  	_ =	shalt  }
0x52: {  	_ =	shalt  }
0x53: {  	_ =	shalt  }
0x54: {  	_ =	shalt  }
0x55: {  	_ =	shalt  }
0x56: {  	_ =	shalt  }
0x57: {  	_ =	shalt  }
0x58: {  	_ =	shalt  }
0x59: {  	_ =	shalt  }
0x5a: {  	_ =	shalt  }
0x5b: {  	_ =	shalt  }
0x5c: {  	_ =	shalt  }
0x5d: {  	_ =	shalt  }
0x5e: {  	_ =	shalt  }
0x5f: {  	_ =	shalt  }
0x60: {  	_ =	shalt  }
0x61: {  	_ =	shalt  }
0x62: {  	_ =	shalt  }
0x63: {  	_ =	shalt  }
0x64: {  	_ =	shalt  }
0x65: {  	_ =	shalt  }
0x66: {  	_ =	shalt  }
0x67: {  	_ =	shalt  }
0x68: {  	_ =	shalt  }
0x69: {  	_ =	shalt  }
0x6a: {  	_ =	shalt  }
0x6b: {  	_ =	shalt  }
0x6c: {  	_ =	shalt  }
0x6d: {  	_ =	shalt  }
0x6e: {  	_ =	shalt  }
0x6f: {  	_ =	shalt  }
0x70: {  	_ =	shalt  }
0x71: {  	_ =	shalt  }
0x72: {  	_ =	shalt  }
0x73: {  	_ =	shalt  }
0x74: {  	_ =	shalt  }
0x75: {  	_ =	shalt  }
0x76: {  	_ =	shalt  }
0x77: {  	_ =	shalt  }
0x78: {  	_ =	shalt  }
0x79: {  	_ =	shalt  }
0x7a: {  	_ =	shalt  }
0x7b: {  	_ =	shalt  }
0x7c: {  	_ =	shalt  }
0x7d: {  	_ =	shalt  }
0x7e: {  	_ =	shalt  }
0x7f: {  	_ =	shalt  }
0x80: {  	_ =	shalt  }
0x81: {  	_ =	shalt  }
0x82: {  	_ =	shalt  }
0x83: {  	_ =	shalt  }
0x84: {  	_ =	shalt  }
0x85: {  	_ =	shalt  }
0x86: {  	_ =	shalt  }
0x87: {  	_ =	shalt  }
.Lfunc_end0:
.L_simem_size_0:
called_computation_lowered:
.L_overlay_start_0:
0x88: {  	s2 =	sld [smem:$0x3FD9]  }
0x89: {  	s3 =	sld [smem:$0x3FFE];
	_ =	sdelay $0x1  }
0x8a: {  	s1 =	srdreg.scid  }
0x8b: {  	s0 =	sand.u32 $0x1, s1  }
0x8c: {  	s18 =	sshll.u32 s0, $0xA;
	s2 =	sadd.s32 s3, s2  }
0x8d: {  	s2 =	sadd.s32 s2, s18  }
0x8e: {  	[smem:$0x3FC6] =	sst s2  }
0x8f: {  	_ = 	snop  }
0x90: {  	s2 =	sld [smem:$0x3FC9]  }
0x91: {  	s19 =	sld [smem:$0x3FC8]  }
0x92: {  	s4 =	sld [smem:$0x3FD0];
	(tm) =	ssettm $0x1  }
0x93: {  	s5 =	sld [smem:$0x3FFB];
	_ =	sdelay $0x3  }
0x94: {  	_ =	strace s5  }
0x95: {  	s5 =	sld [smem:$0x3FFC];
	_ =	sdelay $0x3  }
0x96: {  	_ =	strace s5  }
0x97: {  	s5 =	sld [smem:$0x3FFD];
	_ =	sdelay $0x3  }
0x98: {  	_ =	strace s5  }
0x99: {  	_ =	strace $0x8FFFFFFF  }
0x9a: {  	s20 =	sld [smem:$0x3FDB];
	_ =	sdelay $0x1  }
0x9b: {  	s6 =	simm.s32 $_scs_section_size  }
0x9c: {  	s7 =	simm.s32 $_size__tile_overlayer_lowered;
	s8 =	simm.s32 $_tile_overlayer_lowered  }
0x9d: {  	s23 =	simm.s32 $0x1BFF;
	s22 =	sshll.u32 s8, $0x1;
	s5 =	sadd.s32 s6, s20  }
0x9e: {  	s9 =	simm.s32 $0x0;
	s21 =	sshll.u32 s7, $0x1;
	s7 =	sadd.s32 s22, s5  }
0x9f: {  	[timem:s9], [sflag:s23] =	dma.local [hbm:s7], s21  }
0xa0: {  	_ =	swait.ge [sflag:s23], s21  }
0xa1: {  	s6 =	ssub.s32 $0x0, s21;
	[sflag:s23] =	ssyncset.done $0x0  }
0xa2: {  	[sflag:s23] =	ssyncadd.s32 s6;
	_ =	sdelay $0x1  }
0xa3: {  	s24 =	simm.s32 $0x1B8B  }
0xa4: {  	_ =	swait.ge [sflag:s24], $0x1  }
0xa5: {  	[sflag:s24] =	ssyncset.done $0x0  }
0xa6: {  	s25 =	simm.s32 $0x1B8E;
	[sflag:s24] =	ssyncadd.s32 $0xFFFFFFFF  }
0xa7: {  	s26 =	simm.s32 $execute0_lowered;
	[smem:$0x3FD2] =	sst s25  }
0xa8: {  	s6 =	sshll.u32 s26, $0x1;
	_ =	strace $0x80000046;
	[dreg:$0x1] =	wrdreg $0xFFFFFFFF  }
0xa9: {  	s28 =	simm.s32 $_size_execute0_lowered;
	s5 =	sadd.s32 s5, s6;
	[dreg:$0x0] =	wrdreg $0x0  }
0xaa: {  	s6 =	sshll.u32 s28, $0x1;
	[dreg:$0x2] =	wrdreg s5  }
0xab: {  	[dreg:$0x3] =	wrdreg s6  }
0xac: {  	[dreg:$0x4] =	wrdreg $0xC0  }
0xad: {  	_ =	task [dreg:s9], $0x5FFFF  }
0xae: {  	[dreg:$0x1] =	wrdreg $0xFFFFFFFF  }
0xaf: {  	[dreg:$0x0] =	wrdreg $0x60  }
0xb0: {  	[dreg:$0x2] =	wrdreg s2  }
0xb1: {  	[dreg:$0x3] =	wrdreg s19  }
0xb2: {  	[dreg:$0x4] =	wrdreg s4  }
0xb3: {  	[dreg:$0x5] =	wrdreg $0x40000  }
0xb4: {  	[dreg:$0x6] =	wrdreg $0x5F400  }
0xb5: {  	[dreg:$0x7] =	wrdreg $0x9  }
0xb6: {  	_ =	task.clear_ibuf [dreg:s9], $0x8FFFF;
	_ =	strace $0x90000046  }
0xb7: {  	s29 =	simm.s32 $0x9;
	_ =	strace $0x80000048  }
0xb8: {  	_ =	swait.ge [sflag:s29], $0x1  }
0xb9: {  	[sflag:s29] =	ssyncadd.s32 $0xFFFFFFFF  }
0xba: {  	_ =	strace $0x90000048  }
0xbb: {  	_ =	sfence  }
0xbc: {  	s30 =	sld [smem:$0x0];
	_ =	sdelay $0x2  }
0xbd: {  	s31 =	sshll.u32 s1, $0xD;
	s1 =	sshrl.u32 s1, $0x2  }
0xbe: {  	s3 =	sand.u32 $0x4000, s31;
	s1 =	sadd.s32 s1, s30  }
0xbf: {  	s0 =	sor.u32 s3, s0;
	s1 =	sshll.u32 s1, $0x11  }
0xc0: {  	s0 =	sor.u32 s1, s0  }
0xc1: {  	s0 =	sadd.s32 $0x8F2B, s0  }
0xc2: {  	[sflag:s0] =	ssyncadd.remote.s32 $0x1  }
0xc3: {  	_ =	sfence.sel $0xFFFF  }
0xc4: {  	[dreg:$0x0] =	wrdreg $0xFFFFFFFF;
	(pc) =	sbr.abs _section_cstart, $3  }
0xc5: {  	[dreg:$0x1] =	wrdreg $0xFFFFFFFF  }
0xc6: {  	_ =	task.clear_ibuf [dreg:s9], $0x2FFFF;
	_ =	strace $0x9FFFFFFF  }
0xc7: {  	(tm) =	ssettm $0x7FFFFFFF  }
tec
execute0_lowered:
.L_overlay_start_1:
0x0: {  	(tag) =	ssettag $0x1  }
0x1: {  	s0 =	rddreg [dreg:$0x0]  }
0x2: {  	s1 =	rddreg [dreg:$0x1]  }
0x3: {  	s9 =	rddreg [dreg:$0x2]  }
0x4: {  	s18 =	rddreg [dreg:$0x3]  }
0x5: {  	s26 =	rddreg [dreg:$0x4];
	s2 =	simm.s32 $0x0  }
0x6: {  	[smem:$0x7FF] =	sst s2;
	s8 =	sadd.s32 $0x40000, s9  }
0x7: {  	s10 =	sadd.s32 $0x40800, s9;
	_ =	strace $0x80000047;
	[dreg:$0x6] =	wrdreg s8  }
0x8: {  	s11 =	sadd.s32 $0x40C00, s9;
	[dreg:$0x8] =	wrdreg s10  }
0x9: {  	s12 =	sadd.s32 $0x41000, s9;
	[dreg:$0x9] =	wrdreg s11  }
0xa: {  	s14 =	sadd.s32 $0x41400, s9;
	[dreg:$0xa] =	wrdreg s12  }
0xb: {  	s16 =	sadd.s32 $0x41800, s9;
	[dreg:$0xb] =	wrdreg s14  }
0xc: {  	s17 =	sadd.s32 $0x41C00, s9;
	[dreg:$0xc] =	wrdreg s16  }
0xd: {  	s20 =	sadd.s32 $0x400, s9;
	[dreg:$0xd] =	wrdreg s17  }
0xe: {  	s30 =	srdreg.scid;
	s22 =	sadd.s32 $0x800, s9;
	[dreg:$0xe] =	wrdreg s20  }
0xf: {  	s3 =	stileid.u32;
	s23 =	sadd.s32 $0xC00, s9;
	[dreg:$0xf] =	wrdreg s22  }
0x10: {  	s2 =	sand.u32 $0x1, s30;
	s24 =	sadd.s32 $0x1000, s9;
	[dreg:$0x10] =	wrdreg s23  }
0x11: {  	s28 =	sadd.s32 $0x1400, s9;
	s5 =	smul.u32 $0x342000, s2;
	[dreg:$0x11] =	wrdreg s24  }
0x12: {  	s29 =	sadd.s32 $0x1800, s9;
	s13 =	smul.u32 $0x32C80, s2;
	[dreg:$0x12] =	wrdreg s28  }
0x13: {  	s30 =	sadd.s32 $0x1C00, s9;
	s15 =	smul.u32 $0xD, s2;
	[dreg:$0x13] =	wrdreg s29  }
0x14: {  	s4 =	ssub.s32 $0x2, s2;
	s25 =	smul.u32 $0x1A00, s2;
	[dreg:$0x14] =	wrdreg s30  }
0x15: {  	s8 =	sshll.u32 s2, $0x9;
	s2 =	smul.u32 $0x680, s2;
	[smem:$0x7F5] =	sst s15  }
0x16: {  	s7 =	sshll.u32 s3, $0xE;
	[smem:$0x7FA] =	sst s25  }
0x17: {  	s5 =	sadd.s32 s5, s7;
	[smem:$0x7FC] =	sst s2  }
0x18: {  	s7 =	sadd.s32 $0x40400, s9;
	[dreg:$0x15] =	wrdreg s5  }
0x19: {  	s31 =	sshll.u32 s3, $0xA;
	s19 =	sadd.s32 $0x1, s15;
	[dreg:$0x7] =	wrdreg s7  }
0x1a: {  	s6 =	sshrl.u32 s4, $0x1;
	s21 =	sadd.s32 $0x2, s15;
	[smem:$0x7F4] =	sst s19  }
0x1b: {  	s4 =	ssub.s32 s4, s6;
	s1 =	sadd.s32 s1, s13;
	[smem:$0x7F6] =	sst s21  }
0x1c: {  	s6 =	sor.u32 s8, s31;
	s31 =	sadd.s32 $0x80, s2;
	[smem:$0x7F8] =	sst s1  }
0x1d: {  	s0 =	sadd.s32 s0, s6;
	[smem:$0x7FD] =	sst s31  }
0x1e: {  	s4 =	smax.u32 s4, $0x1;
	[smem:$0x7F3] =	sst s0  }
0x1f: {  	s1 =	sadd.s32 $0x7D00, s1;
	[smem:$0x7F7] =	sst s4  }
0x20: {  	p0 =	sne.s32 s3, $0x0;
	[smem:$0x7F9] =	sst s1;
	s1 =	sadd.s32 $0x200, s25  }
0x21: {  	s22 =	simm.s32 $0x1;
	s2 =	simm.s32 $0x0;
	[smem:$0x7FB] =	sst s1  }
.LBB2_1:
0x22: {  	s0 =	sld [smem:$0x7F3];
	_ =	sdelay $0x1  }
0x23: {  	s25 =	simm.s32 $0x0;
	s1 =	simm.s32 $0x1000;
	s30 =	simm.s32 $0x20000  }
0x24: {  	[tilespmem:s25], [sflag:$0x4] =	stream.strided.gather [hbm4b:s0+s1], $0x4000, s30, s1, $0x38;
	[tilespmem:$0x17E80] =	vst v63  }
0x25: {  	[smem:$0x7EE] =	sst s2;
	s1 =	simm.s32 $0x4  }
0x26: {  	_ =	swait.ge [sflag:s1], $0x4000  }
0x27: {  	[sflag:s1] =	ssyncset.done $0x0  }
0x28: {  	[sflag:s1] =	ssyncadd.s32 $0xFFFFC000;
	s1 =	sld [smem:$0x7F8];
	_ =	sdelay $0x1  }
0x29: {  	s6 =	simm.s32 @!p0 $0x1C03;
	s0 =	sshrl.u32 @!p0 s18, $0x3  }
0x2a: {  	[spmem:s0], [sflag:s6] =	dma.local @!p0 [hbm:s1], $0x3E80  }
0x2b: {  	s0 =	rddreg [dreg:$0x13]  }
0x2c: {  	s12 =	rddreg [dreg:$0x6]  }
0x2d: {  	s11 =	rddreg [dreg:$0x7]  }
0x2e: {  	s10 =	rddreg [dreg:$0x8]  }
0x2f: {  	s1 =	rddreg [dreg:$0x9]  }
0x30: {  	s2 =	rddreg [dreg:$0xa]  }
0x31: {  	s3 =	rddreg [dreg:$0xb]  }
0x32: {  	s24 =	rddreg [dreg:$0xc]  }
0x33: {  	s4 =	rddreg [dreg:$0xd]  }
0x34: {  	s17 =	rddreg [dreg:$0xf]  }
0x35: {  	s16 =	rddreg [dreg:$0x10]  }
0x36: {  	s15 =	rddreg [dreg:$0x11]  }
0x37: {  	s5 =	sld [smem:$0x7F5]  }
0x38: {  	s13 =	rddreg [dreg:$0x12]  }
0x39: {  	[smem:$0x7EF] =	sst s1  }
0x3a: {  	[smem:$0x7F0] =	sst s2  }
0x3b: {  	[smem:$0x7F1] =	sst s3  }
0x3c: {  	[smem:$0x7F2] =	sst s4  }
0x3d: {  	s2 =	rddreg [dreg:$0xe];
	s3 =	simm.s32 @!p0 $0x3  }
0x3e: {  	s1 =	smulhi.u32 $0x4EC4EC4F, s5;
	s5 =	rddreg [dreg:$0x14];
	_ =	swait.ge @!p0 [sflag:s3], $0x3E80  }
0x3f: {  	[sflag:s3] =	ssyncset.done @!p0 $0x0  }
0x40: {  	[sflag:s3] =	ssyncadd.s32 @!p0 $0xFFFFC180  }
0x41: {  	s29 =	sld [smem:$0x7FA];
	s1 =	sshrl.u32 s1, $0x3;
	[bflag:$0x0] =	sbarrier.arrive $0xFFFF  }
0x42: {  	p2 =	por $0x1, $0x1;
	s4 =	smul.u32 $0x3400, s1;
	s30 =	sld [smem:$0x7FC]  }
0x43: {  	s31 =	simm.s32 $0x40;
	s18 =	simm.s32 @!p2 $0x2;
	s14 =	smul.u32 $0xD00, s1  }
0x44: {  	s8 =	simm.s32 $0x7E80;
	p1 =	por $0x0, $0x0;
	_ =	swait.ge @!p2 [sflag:s18], $0x2000  }
0x45: {  	s4 =	ssub.s32 s29, s4;
	[sflag:s18] =	ssyncset.done @!p2 $0x0;
	s14 =	ssub.s32 s30, s14  }
0x46: {  	s4 =	sand.u32 $0x3000, s4;
	[sflag:s18] =	ssyncadd.s32 @!p2 $0xFFFFE000;
	s14 =	sand.u32 $0x380, s14  }
0x47: {  	s18 =	rddreg [dreg:$0x3];
	s4 =	sor.u32 s14, s4;
	s14 =	simm.s32 @p1 $0x2  }
0x48: {  	[tilespmem:s8], [sflag:$0x1] =	stream.indirect.gather [spmem:s18], $0x80, s4, s31, $0xb8;
	[tilespmem:$0x17E80] =	vst v63  }
0x49: {  	_ =	swait.ge @p1 [sflag:s14], $0x2000  }
0x4a: {  	[sflag:s14] =	ssyncset.done @p1 $0x0  }
0x4b: {  	s19 =	simm.s32 @p1 $0x9E80;
	[sflag:s14] =	ssyncadd.s32 @p1 $0xFFFFE000  }
0x4c: {  	s20 =	simm.s32 @p1 $0x40;
	s18 =	sadd.s32 @p1 $0x40, s4;
	s21 =	rddreg [dreg:$0x3]  }
0x4d: {  	[tilespmem:s19], [sflag:$0x1] =	stream.indirect.gather @p1 [spmem:s21], $0x80, s18, s20, $0xb8;
	[tilespmem:$0x17E80] =	vst v63  }
0x4e: {  	_ =	swait.ge @p1 [sflag:s14], $0x2000  }
0x4f: {  	[sflag:s14] =	ssyncset.done @p1 $0x0  }
0x50: {  	[sflag:s14] =	ssyncadd.s32 @p1 $0xFFFFE000  }
0x51: {  	s18 =	sadd.s32 @p1 $0x400, s4;
	s19 =	simm.s32 @p1 $0xBE80;
	s21 =	rddreg [dreg:$0x3]  }
0x52: {  	[tilespmem:s19], [sflag:$0x1] =	stream.indirect.gather @p1 [spmem:s21], $0x80, s18, s20, $0xb8;
	[tilespmem:$0x17E80] =	vst v63  }
0x53: {  	_ =	swait.ge @p1 [sflag:s14], $0x2000  }
0x54: {  	[sflag:s14] =	ssyncset.done @p1 $0x0  }
0x55: {  	[sflag:s14] =	ssyncadd.s32 @p1 $0xFFFFE000  }
0x56: {  	s18 =	sadd.s32 @p1 $0x440, s4;
	s19 =	simm.s32 @p1 $0xDE80;
	s21 =	rddreg [dreg:$0x3]  }
0x57: {  	[tilespmem:s19], [sflag:$0x1] =	stream.indirect.gather @p1 [spmem:s21], $0x80, s18, s20, $0xb8;
	[tilespmem:$0x17E80] =	vst v63  }
0x58: {  	_ =	swait.ge @p1 [sflag:s14], $0x2000  }
0x59: {  	[sflag:s14] =	ssyncset.done @p1 $0x0  }
0x5a: {  	[sflag:s14] =	ssyncadd.s32 @p1 $0xFFFFE000  }
0x5b: {  	s18 =	sadd.s32 @p1 $0x800, s4;
	s19 =	simm.s32 @p1 $0xFE80;
	s21 =	rddreg [dreg:$0x3]  }
0x5c: {  	[tilespmem:s19], [sflag:$0x1] =	stream.indirect.gather @p1 [spmem:s21], $0x80, s18, s20, $0xb8;
	[tilespmem:$0x17E80] =	vst v63  }
0x5d: {  	_ =	swait.ge @p1 [sflag:s14], $0x2000  }
0x5e: {  	[sflag:s14] =	ssyncset.done @p1 $0x0  }
0x5f: {  	[sflag:s14] =	ssyncadd.s32 @p1 $0xFFFFE000  }
0x60: {  	s18 =	sadd.s32 @p1 $0x840, s4;
	s19 =	simm.s32 @p1 $0x11E80;
	s21 =	rddreg [dreg:$0x3]  }
0x61: {  	[tilespmem:s19], [sflag:$0x1] =	stream.indirect.gather @p1 [spmem:s21], $0x80, s18, s20, $0xb8;
	[tilespmem:$0x17E80] =	vst v63  }
0x62: {  	_ =	swait.ge @p1 [sflag:s14], $0x2000  }
0x63: {  	[sflag:s14] =	ssyncset.done @p1 $0x0  }
0x64: {  	[sflag:s14] =	ssyncadd.s32 @p1 $0xFFFFE000  }
0x65: {  	s18 =	sadd.s32 @p1 $0xC00, s4;
	s19 =	simm.s32 @p1 $0x13E80;
	s21 =	rddreg [dreg:$0x3]  }
0x66: {  	[tilespmem:s19], [sflag:$0x1] =	stream.indirect.gather @p1 [spmem:s21], $0x80, s18, s20, $0xb8;
	[tilespmem:$0x17E80] =	vst v63  }
0x67: {  	_ =	swait.ge @p1 [sflag:s14], $0x2000  }
0x68: {  	[sflag:s14] =	ssyncset.done @p1 $0x0  }
0x69: {  	s28 =	sld [smem:$0x7F4];
	[sflag:s14] =	ssyncadd.s32 @p1 $0xFFFFE000  }
0x6a: {  	s18 =	sadd.s32 @!p1 $0x40, s4;
	s14 =	rddreg [dreg:$0x3]  }
0x6b: {  	s19 =	simm.s32 @!p1 $0x40;
	s20 =	simm.s32 @!p1 $0x9E80;
	s21 =	rddreg [dreg:$0x3]  }
0x6c: {  	[tilespmem:s20], [sflag:$0x1] =	stream.indirect.gather @!p1 [spmem:s14], $0x80, s18, s19, $0xb8;
	[tilespmem:$0x17E80] =	vst v63  }
0x6d: {  	s14 =	sadd.s32 @!p1 $0x400, s4;
	s18 =	simm.s32 @!p1 $0xBE80;
	s20 =	rddreg [dreg:$0x3]  }
0x6e: {  	[tilespmem:s18], [sflag:$0x1] =	stream.indirect.gather @!p1 [spmem:s20], $0x80, s14, s19, $0xb8;
	[tilespmem:$0x17E80] =	vst v63  }
0x6f: {  	s14 =	sadd.s32 @!p1 $0x440, s4;
	s18 =	simm.s32 @!p1 $0xDE80;
	s20 =	rddreg [dreg:$0x3]  }
0x70: {  	[tilespmem:s18], [sflag:$0x1] =	stream.indirect.gather @!p1 [spmem:s20], $0x80, s14, s19, $0xb8;
	[tilespmem:$0x17E80] =	vst v63  }
0x71: {  	s23 =	rddreg [dreg:$0x3];
	s14 =	sadd.s32 @!p1 $0x800, s4;
	s20 =	simm.s32 @!p1 $0xFE80  }
0x72: {  	[tilespmem:s20], [sflag:$0x1] =	stream.indirect.gather @!p1 [spmem:s21], $0x80, s14, s19, $0xb8;
	[tilespmem:$0x17E80] =	vst v63  }
0x73: {  	s18 =	simm.s32 @!p1 $0x11E80;
	s20 =	sadd.s32 @!p1 $0x840, s4;
	s21 =	rddreg [dreg:$0x3]  }
0x74: {  	[tilespmem:s18], [sflag:$0x1] =	stream.indirect.gather @!p1 [spmem:s21], $0x80, s20, s19, $0xb8;
	[tilespmem:$0x17E80] =	vst v63  }
0x75: {  	s7 =	smulhi.u32 $0x4EC4EC4F, s28;
	s18 =	sadd.s32 @!p1 $0xC00, s4;
	s21 =	simm.s32 @!p1 $0x13E80  }
0x76: {  	[tilespmem:s21], [sflag:$0x1] =	stream.indirect.gather @!p1 [spmem:s23], $0x80, s18, s19, $0xb8;
	[tilespmem:$0x17E80] =	vst v63  }
0x77: {  	s14 =	sshrl.u32 s7, $0x3;
	s21 =	sld [smem:$0x7F9]  }
0x78: {  	s20 =	smul.u32 $0xFFF9A700, s14  }
0x79: {  	s9 =	rddreg [dreg:$0x3]  }
0x7a: {  	s4 =	sadd.s32 $0xC40, s4;
	s23 =	sshrl.u32 @!p0 s26, $0x3;
	s18 =	sadd.s32 @!p0 s20, s21  }
0x7b: {  	[dreg:$0x16] =	wrdreg s23;
	s20 =	simm.s32 $0x15E80;
	s18 =	sadd.s32 @!p0 $0xFFFFC180, s18  }
0x7c: {  	[tilespmem:s20], [sflag:$0x1] =	stream.indirect.gather [spmem:s9], $0x80, s4, s31, $0xb8;
	[tilespmem:$0x17E80] =	vst v63  }
0x7d: {  	[spmem:s23], [sflag:s6] =	dma.local @!p0 [hbm:s18], $0x3E80  }
0x7e: {  	_ =	swait.ge [sflag:s22], $0x2000  }
0x7f: {  	s18 =	smul.u32 $0x680000, s1;
	s23 =	rddreg [dreg:$0x15]  }
0x80: {  	s6 =	rddreg [dreg:$0x2]  }
0x81: {  	[sflag:s22] =	ssyncset.done $0x0;
	s7 =	ssub.s32 s6, s18;
	s1 =	sadd.s32 $0x0, s23  }
0x82: {  	[sflag:s22] =	ssyncadd.s32 $0xFFFFE000;
	s4 =	sadd.s32 s7, s1  }
0x83: {  	[hbm4b:s4+s25] =	stream.linear.scatter [tilespmem:s8], [sflag:$0x2], $0x2000, $0x38;
	[tilespmem:$0x17E80] =	vst v63  }
0x84: {  	_ =	swait.ge [sflag:s22], $0x2000  }
0x85: {  	s2 =	ssub.s32 s2, s18;
	[sflag:s22] =	ssyncset.done $0x0  }
0x86: {  	s6 =	simm.s32 $0x9E80;
	s2 =	sadd.s32 s2, s1;
	[sflag:s22] =	ssyncadd.s32 $0xFFFFE000  }
0x87: {  	[hbm4b:s2+s25] =	stream.linear.scatter [tilespmem:s6], [sflag:$0x2], $0x2000, $0x38;
	[tilespmem:$0x17E80] =	vst v63  }
0x88: {  	_ =	swait.ge [sflag:s22], $0x2000  }
0x89: {  	s9 =	ssub.s32 s17, s18;
	[sflag:s22] =	ssyncset.done $0x0  }
0x8a: {  	s19 =	simm.s32 $0xBE80;
	s2 =	sadd.s32 s9, s1;
	[sflag:s22] =	ssyncadd.s32 $0xFFFFE000  }
0x8b: {  	[hbm4b:s2+s25] =	stream.linear.scatter [tilespmem:s19], [sflag:$0x2], $0x2000, $0x38;
	[tilespmem:$0x17E80] =	vst v63  }
0x8c: {  	_ =	swait.ge [sflag:s22], $0x2000  }
0x8d: {  	s16 =	ssub.s32 s16, s18;
	[sflag:s22] =	ssyncset.done $0x0  }
0x8e: {  	s23 =	simm.s32 $0xDE80;
	s2 =	sadd.s32 s16, s1;
	[sflag:s22] =	ssyncadd.s32 $0xFFFFE000  }
0x8f: {  	[hbm4b:s2+s25] =	stream.linear.scatter [tilespmem:s23], [sflag:$0x2], $0x2000, $0x38;
	[tilespmem:$0x17E80] =	vst v63  }
0x90: {  	_ =	swait.ge [sflag:s22], $0x2000  }
0x91: {  	s17 =	ssub.s32 s15, s18;
	[sflag:s22] =	ssyncset.done $0x0  }
0x92: {  	s7 =	simm.s32 $0xFE80;
	s2 =	sadd.s32 s17, s1;
	[sflag:s22] =	ssyncadd.s32 $0xFFFFE000  }
0x93: {  	[hbm4b:s2+s25] =	stream.linear.scatter [tilespmem:s7], [sflag:$0x2], $0x2000, $0x38;
	[tilespmem:$0x17E80] =	vst v63  }
0x94: {  	_ =	swait.ge [sflag:s22], $0x2000  }
0x95: {  	s4 =	ssub.s32 s13, s18;
	[sflag:s22] =	ssyncset.done $0x0  }
0x96: {  	s9 =	simm.s32 $0x11E80;
	s2 =	sadd.s32 s4, s1;
	[sflag:s22] =	ssyncadd.s32 $0xFFFFE000  }
0x97: {  	[hbm4b:s2+s25] =	stream.linear.scatter [tilespmem:s9], [sflag:$0x2], $0x2000, $0x38;
	[tilespmem:$0x17E80] =	vst v63  }
0x98: {  	_ =	swait.ge [sflag:s22], $0x2000  }
0x99: {  	s0 =	ssub.s32 s0, s18;
	[sflag:s22] =	ssyncset.done $0x0  }
0x9a: {  	s0 =	sadd.s32 s0, s1;
	s4 =	simm.s32 $0x13E80;
	[sflag:s22] =	ssyncadd.s32 $0xFFFFE000  }
0x9b: {  	[hbm4b:s0+s25] =	stream.linear.scatter [tilespmem:s4], [sflag:$0x2], $0x2000, $0x38;
	[tilespmem:$0x17E80] =	vst v63  }
0x9c: {  	_ =	swait.ge [sflag:s22], $0x2000  }
0x9d: {  	s5 =	ssub.s32 s5, s18;
	s18 =	rddreg [dreg:$0x3];
	[sflag:s22] =	ssyncset.done $0x0  }
0x9e: {  	s0 =	sadd.s32 s5, s1;
	[sflag:s22] =	ssyncadd.s32 $0xFFFFE000  }
0x9f: {  	[hbm4b:s0+s25] =	stream.linear.scatter [tilespmem:s20], [sflag:$0x2], $0x2000, $0x38;
	[tilespmem:$0x17E80] =	vst v63  }
0xa0: {  	_ =	swait.ge @!p0 [sflag:s3], $0x3E80  }
0xa1: {  	[sflag:s3] =	ssyncset.done @!p0 $0x0  }
0xa2: {  	[sflag:s3] =	ssyncadd.s32 @!p0 $0xFFFFC180  }
0xa3: {  	[bflag:$0x0] =	sbarrier.arrive $0xFFFF  }
0xa4: {  	s17 =	sld [smem:$0x7FD]  }
0xa5: {  	s15 =	smul.u32 $0xD00, s14;
	s16 =	sld [smem:$0x7FB]  }
0xa6: {  	s13 =	smul.u32 $0x3400, s14  }
0xa7: {  	s2 =	ssub.s32 s17, s15;
	s15 =	simm.s32 $0x2  }
0xa8: {  	s0 =	ssub.s32 s16, s13;
	_ =	swait.ge [sflag:s15], $0x2000  }
0xa9: {  	s0 =	sand.u32 $0x3000, s0;
	s2 =	sand.u32 $0x380, s2;
	[sflag:s15] =	ssyncset.done $0x0  }
0xaa: {  	s0 =	sor.u32 s2, s0;
	[sflag:s15] =	ssyncadd.s32 $0xFFFFE000  }
0xab: {  	[tilespmem:s8], [sflag:$0x1] =	stream.indirect.gather [spmem:s26], $0x80, s0, s31, $0xb8;
	[tilespmem:$0x17E80] =	vst v63  }
0xac: {  	_ =	swait.ge [sflag:s15], $0x2000  }
0xad: {  	[sflag:s15] =	ssyncset.done $0x0  }
0xae: {  	s2 =	sor.u32 $0x40, s0;
	[sflag:s15] =	ssyncadd.s32 $0xFFFFE000  }
0xaf: {  	[tilespmem:s6], [sflag:$0x1] =	stream.indirect.gather [spmem:s26], $0x80, s2, s31, $0xb8;
	[tilespmem:$0x17E80] =	vst v63  }
0xb0: {  	_ =	swait.ge [sflag:s15], $0x2000  }
0xb1: {  	[sflag:s15] =	ssyncset.done $0x0  }
0xb2: {  	s5 =	sor.u32 $0x400, s0;
	[sflag:s15] =	ssyncadd.s32 $0xFFFFE000  }
0xb3: {  	[tilespmem:s19], [sflag:$0x1] =	stream.indirect.gather [spmem:s26], $0x80, s5, s31, $0xb8;
	[tilespmem:$0x17E80] =	vst v63  }
0xb4: {  	_ =	swait.ge [sflag:s15], $0x2000  }
0xb5: {  	[sflag:s15] =	ssyncset.done $0x0  }
0xb6: {  	s8 =	sor.u32 $0x440, s0;
	[sflag:s15] =	ssyncadd.s32 $0xFFFFE000  }
0xb7: {  	[tilespmem:s23], [sflag:$0x1] =	stream.indirect.gather [spmem:s26], $0x80, s8, s31, $0xb8;
	[tilespmem:$0x17E80] =	vst v63  }
0xb8: {  	_ =	swait.ge [sflag:s15], $0x2000  }
0xb9: {  	[sflag:s15] =	ssyncset.done $0x0  }
0xba: {  	s13 =	sor.u32 $0x800, s0;
	[sflag:s15] =	ssyncadd.s32 $0xFFFFE000  }
0xbb: {  	[tilespmem:s7], [sflag:$0x1] =	stream.indirect.gather [spmem:s26], $0x80, s13, s31, $0xb8;
	[tilespmem:$0x17E80] =	vst v63  }
0xbc: {  	_ =	swait.ge [sflag:s15], $0x2000  }
0xbd: {  	[sflag:s15] =	ssyncset.done $0x0  }
0xbe: {  	s3 =	sor.u32 $0x840, s0;
	[sflag:s15] =	ssyncadd.s32 $0xFFFFE000  }
0xbf: {  	[tilespmem:s9], [sflag:$0x1] =	stream.indirect.gather [spmem:s26], $0x80, s3, s31, $0xb8;
	[tilespmem:$0x17E80] =	vst v63  }
0xc0: {  	_ =	swait.ge [sflag:s15], $0x2000  }
0xc1: {  	[sflag:s15] =	ssyncset.done $0x0;
	s13 =	sld [smem:$0x7F6]  }
0xc2: {  	s8 =	sor.u32 $0xC00, s0;
	[sflag:s15] =	ssyncadd.s32 $0xFFFFE000  }
0xc3: {  	[tilespmem:s4], [sflag:$0x1] =	stream.indirect.gather [spmem:s26], $0x80, s8, s31, $0xb8;
	[tilespmem:$0x17E80] =	vst v63  }
0xc4: {  	p1 =	por @!p0 $0x0, $0x0;
	s5 =	smulhi.u32 $0x4EC4EC4F, s13  }
0xc5: {  	p1 =	por p1, p0;
	_ =	swait.ge [sflag:s15], $0x2000  }
0xc6: {  	s0 =	sor.u32 $0xC40, s0;
	[sflag:s15] =	ssyncset.done $0x0;
	s2 =	sshrl.u32 s5, $0x3  }
0xc7: {  	s3 =	sshrl.u32 @!p1 s18, $0x3;
	[sflag:s15] =	ssyncadd.s32 $0xFFFFE000;
	s2 =	smul.u32 $0xFFF9A700, s2  }
0xc8: {  	[tilespmem:s20], [sflag:$0x1] =	stream.indirect.gather [spmem:s26], $0x80, s0, s31, $0xb8;
	[tilespmem:$0x17E80] =	vst v63  }
0xc9: {  	s4 =	smul.u32 $0x680000, s14;
	s0 =	sadd.s32 @!p1 s2, s21;
	s2 =	simm.s32 @!p1 $0x1C03  }
0xca: {  	[spmem:s3], [sflag:s2] =	dma.local @!p1 [hbm:s0], $0x3E80  }
0xcb: {  	_ =	swait.ge [sflag:s22], $0x2000  }
0xcc: {  	s5 =	ssub.s32 s12, s4;
	[sflag:s22] =	ssyncset.done $0x0  }
0xcd: {  	s15 =	simm.s32 $0x7E80;
	s2 =	sadd.s32 s5, s1;
	[sflag:s22] =	ssyncadd.s32 $0xFFFFE000  }
0xce: {  	[hbm4b:s2+s25] =	stream.linear.scatter [tilespmem:s15], [sflag:$0x2], $0x2000, $0x38;
	[tilespmem:$0x17E80] =	vst v63  }
0xcf: {  	_ =	swait.ge [sflag:s22], $0x2000  }
0xd0: {  	s8 =	ssub.s32 s11, s4;
	[sflag:s22] =	ssyncset.done $0x0  }
0xd1: {  	s2 =	sadd.s32 s8, s1;
	[sflag:s22] =	ssyncadd.s32 $0xFFFFE000  }
0xd2: {  	[hbm4b:s2+s25] =	stream.linear.scatter [tilespmem:s6], [sflag:$0x2], $0x2000, $0x38;
	[tilespmem:$0x17E80] =	vst v63  }
0xd3: {  	_ =	swait.ge [sflag:s22], $0x2000  }
0xd4: {  	s11 =	ssub.s32 s10, s4;
	[sflag:s22] =	ssyncset.done $0x0  }
0xd5: {  	s2 =	sadd.s32 s11, s1;
	[sflag:s22] =	ssyncadd.s32 $0xFFFFE000  }
0xd6: {  	[hbm4b:s2+s25] =	stream.linear.scatter [tilespmem:s19], [sflag:$0x2], $0x2000, $0x38;
	[tilespmem:$0x17E80] =	vst v63  }
0xd7: {  	_ =	swait.ge [sflag:s22], $0x2000  }
0xd8: {  	s12 =	sld [smem:$0x7EF];
	_ =	sdelay $0x2  }
0xd9: {  	[sflag:s22] =	ssyncset.done $0x0;
	s2 =	ssub.s32 s12, s4  }
0xda: {  	[sflag:s22] =	ssyncadd.s32 $0xFFFFE000;
	s2 =	sadd.s32 s2, s1  }
0xdb: {  	[hbm4b:s2+s25] =	stream.linear.scatter [tilespmem:s23], [sflag:$0x2], $0x2000, $0x38;
	[tilespmem:$0x17E80] =	vst v63  }
0xdc: {  	_ =	swait.ge [sflag:s22], $0x2000  }
0xdd: {  	s20 =	ssub.s32 s24, s4;
	s14 =	sld [smem:$0x7F0]  }
0xde: {  	s31 =	sadd.s32 s20, s1;
	s20 =	sadd.s32 $0x2, s28  }
0xdf: {  	s5 =	simm.s32 $0x80000;
	s8 =	simm.s32 $0x40;
	s19 =	sld [smem:$0x7F1]  }
0xe0: {  	[sflag:s22] =	ssyncset.done $0x0;
	s23 =	sld [smem:$0x7F2];
	s2 =	ssub.s32 s14, s4  }
0xe1: {  	s11 =	sadd.s32 $0x2, s13;
	[sflag:s22] =	ssyncadd.s32 $0xFFFFE000;
	s2 =	sadd.s32 s2, s1  }
0xe2: {  	[hbm4b:s2+s25] =	stream.linear.scatter [tilespmem:s7], [sflag:$0x2], $0x2000, $0x38;
	[tilespmem:$0x17E80] =	vst v63  }
0xe3: {  	s3 =	ssub.s32 s19, s4;
	s0 =	ssub.s32 s23, s4;
	_ =	swait.ge [sflag:s22], $0x2000  }
0xe4: {  	s4 =	sadd.s32 $0x400, s29;
	s29 =	sadd.s32 $0x400, s16;
	[sflag:s22] =	ssyncset.done $0x0  }
0xe5: {  	s14 =	sadd.s32 $0x100, s17;
	s24 =	sadd.s32 s3, s1;
	[sflag:s22] =	ssyncadd.s32 $0xFFFFE000  }
0xe6: {  	[hbm4b:s24+s25] =	stream.linear.scatter [tilespmem:s9], [sflag:$0x2], $0x2000, $0x38;
	[tilespmem:$0x17E80] =	vst v63  }
0xe7: {  	s12 =	sadd.s32 s0, s1;
	s3 =	sadd.s32 $0x100, s30;
	_ =	swait.ge [sflag:s22], $0x2000  }
.LBB2_2:
0xe8: {  	[dreg:$0x1a] =	wrdreg s13  }
0xe9: {  	[dreg:$0x19] =	wrdreg s11  }
0xea: {  	[dreg:$0x18] =	wrdreg s4  }
0xeb: {  	[dreg:$0x17] =	wrdreg s3;
	[sflag:s22] =	ssyncset.done $0x0;
	s21 =	sadd.s32 $0x7D00, s21  }
0xec: {  	s6 =	smov.u32 s5;
	s30 =	simm.s32 $0x0;
	[smem:$0x7E4] =	sst s21  }
0xed: {  	s0 =	simm.s32 $0x13E80;
	[smem:$0x7EB] =	sst s6;
	[sflag:s22] =	ssyncadd.s32 $0xFFFFE000  }
0xee: {  	[hbm4b:s31+s30] =	stream.linear.scatter [tilespmem:s0], [sflag:$0x2], $0x2000, $0x38;
	[tilespmem:$0x17E80] =	vst v63  }
0xef: {  	_ =	swait.ge [sflag:s22], $0x2000  }
0xf0: {  	s2 =	rddreg [dreg:$0x13]  }
0xf1: {  	s11 =	sadd.s32 $0x80000, s5;
	s5 =	rddreg [dreg:$0x6]  }
0xf2: {  	s7 =	rddreg [dreg:$0x7]  }
0xf3: {  	s9 =	rddreg [dreg:$0x8]  }
0xf4: {  	s10 =	rddreg [dreg:$0x9]  }
0xf5: {  	s13 =	rddreg [dreg:$0xa]  }
0xf6: {  	s16 =	rddreg [dreg:$0xb]  }
0xf7: {  	s17 =	rddreg [dreg:$0xc]  }
0xf8: {  	s19 =	rddreg [dreg:$0xd]  }
0xf9: {  	s21 =	rddreg [dreg:$0x1a]  }
0xfa: {  	s31 =	rddreg [dreg:$0x12]  }
0xfb: {  	[smem:$0x7E3] =	sst s2  }
0xfc: {  	[dreg:$0x1f] =	wrdreg s5  }
0xfd: {  	[dreg:$0x1e] =	wrdreg s7  }
0xfe: {  	[smem:$0x7E7] =	sst s9  }
0xff: {  	[smem:$0x7E5] =	sst s10  }
0x100: {  	[smem:$0x7E8] =	sst s13  }
0x101: {  	[smem:$0x7E6] =	sst s16  }
0x102: {  	[smem:$0x7E9] =	sst s17  }
0x103: {  	[sflag:s22] =	ssyncset.done $0x0;
	[smem:$0x7EA] =	sst s19;
	s0 =	smulhi.u32 $0x4EC4EC4F, s21  }
0x104: {  	[sflag:s22] =	ssyncadd.s32 $0xFFFFE000;
	s19 =	rddreg [dreg:$0xe]  }
0x105: {  	s16 =	rddreg [dreg:$0xf];
	s5 =	smov.u32 s29;
	s0 =	sshrl.u32 s0, $0x3  }
0x106: {  	s29 =	rddreg [dreg:$0x10];
	s7 =	simm.s32 $0x15E80;
	s2 =	smul.u32 $0xD00, s0  }
0x107: {  	[hbm4b:s12+s30] =	stream.linear.scatter [tilespmem:s7], [sflag:$0x2], $0x2000, $0x38;
	[tilespmem:$0x17E80] =	vst v63  }
0x108: {  	s21 =	rddreg [dreg:$0x11];
	s2 =	ssub.s32 s3, s2;
	s3 =	simm.s32 @!p0 $0x3  }
0x109: {  	s17 =	rddreg [dreg:$0x14];
	_ =	swait.ge @!p0 [sflag:s3], $0x3E80  }
0x10a: {  	s1 =	smul.u32 $0x3400, s0;
	[sflag:s3] =	ssyncset.done @!p0 $0x0  }
0x10b: {  	p3 =	seq.s32 s6, $0x0;
	[sflag:s3] =	ssyncadd.s32 @!p0 $0xFFFFC180  }
0x10c: {  	s1 =	ssub.s32 s4, s1;
	s4 =	simm.s32 @!p3 $0x2;
	[bflag:$0x0] =	sbarrier.arrive $0xFFFF  }
0x10d: {  	p2 =	sne.s32 s6, $0x0;
	s12 =	smul.u32 $0x680000, s0;
	_ =	swait.ge @!p3 [sflag:s4], $0x2000  }
0x10e: {  	s1 =	sand.u32 $0x3000, s1;
	s23 =	sand.u32 $0x380, s2;
	[sflag:s4] =	ssyncset.done @!p3 $0x0  }
0x10f: {  	s0 =	simm.s32 @p2 $0x2;
	s25 =	sor.u32 s23, s1;
	[sflag:s4] =	ssyncadd.s32 @!p3 $0xFFFFE000  }
0x110: {  	[tilespmem:s15], [sflag:$0x1] =	stream.indirect.gather [spmem:s18], $0x80, s25, s8, $0xb8;
	[tilespmem:$0x17E80] =	vst v63  }
0x111: {  	_ =	swait.ge @p2 [sflag:s0], $0x2000  }
0x112: {  	s24 =	ssub.s32 s19, s12;
	[sflag:s0] =	ssyncset.done @p2 $0x0  }
0x113: {  	s19 =	simm.s32 @p2 $0x9E80;
	[smem:$0x7EC] =	sst s24;
	[sflag:s0] =	ssyncadd.s32 @p2 $0xFFFFE000  }
0x114: {  	s3 =	sadd.s32 @p2 $0x40, s25;
	s18 =	simm.s32 @p2 $0x40;
	s15 =	rddreg [dreg:$0x3]  }
0x115: {  	[tilespmem:s19], [sflag:$0x1] =	stream.indirect.gather @p2 [spmem:s15], $0x80, s3, s18, $0xb8;
	[tilespmem:$0x17E80] =	vst v63  }
0x116: {  	_ =	swait.ge @p2 [sflag:s0], $0x2000  }
0x117: {  	s15 =	sld [smem:$0x7E3]  }
0x118: {  	[sflag:s0] =	ssyncset.done @p2 $0x0  }
0x119: {  	[sflag:s0] =	ssyncadd.s32 @p2 $0xFFFFE000  }
0x11a: {  	s3 =	ssub.s32 s15, s12;
	s15 =	rddreg [dreg:$0x3]  }
0x11b: {  	s13 =	sadd.s32 @p2 $0x400, s25;
	s8 =	simm.s32 @p2 $0xBE80;
	[smem:$0x7ED] =	sst s3  }
0x11c: {  	[tilespmem:s8], [sflag:$0x1] =	stream.indirect.gather @p2 [spmem:s15], $0x80, s13, s18, $0xb8;
	[tilespmem:$0x17E80] =	vst v63  }
0x11d: {  	_ =	swait.ge @p2 [sflag:s0], $0x2000  }
0x11e: {  	[sflag:s0] =	ssyncset.done @p2 $0x0  }
0x11f: {  	[sflag:s0] =	ssyncadd.s32 @p2 $0xFFFFE000  }
0x120: {  	s6 =	sadd.s32 @p2 $0x440, s25;
	s3 =	simm.s32 @p2 $0xDE80;
	s13 =	rddreg [dreg:$0x3]  }
0x121: {  	[tilespmem:s3], [sflag:$0x1] =	stream.indirect.gather @p2 [spmem:s13], $0x80, s6, s18, $0xb8;
	[tilespmem:$0x17E80] =	vst v63  }
0x122: {  	_ =	swait.ge @p2 [sflag:s0], $0x2000  }
0x123: {  	[sflag:s0] =	ssyncset.done @p2 $0x0  }
0x124: {  	[sflag:s0] =	ssyncadd.s32 @p2 $0xFFFFE000  }
0x125: {  	s7 =	sadd.s32 @p2 $0x800, s25;
	s8 =	simm.s32 @p2 $0xFE80;
	s6 =	rddreg [dreg:$0x3]  }
0x126: {  	[tilespmem:s8], [sflag:$0x1] =	stream.indirect.gather @p2 [spmem:s6], $0x80, s7, s18, $0xb8;
	[tilespmem:$0x17E80] =	vst v63  }
0x127: {  	_ =	swait.ge @p2 [sflag:s0], $0x2000  }
0x128: {  	[sflag:s0] =	ssyncset.done @p2 $0x0  }
0x129: {  	p1 =	sne.s32 s11, $0x680000;
	s9 =	sadd.s32 @p2 $0xC00, s25;
	[sflag:s0] =	ssyncadd.s32 @p2 $0xFFFFE000  }
0x12a: {  	s28 =	sadd.s32 @p2 $0x840, s25;
	s3 =	simm.s32 @p2 $0x11E80;
	s7 =	rddreg [dreg:$0x3]  }
0x12b: {  	[tilespmem:s3], [sflag:$0x1] =	stream.indirect.gather @p2 [spmem:s7], $0x80, s28, s18, $0xb8;
	[tilespmem:$0x17E80] =	vst v63  }
0x12c: {  	s23 =	sadd.s32 @!p2 $0x400, s25;
	s1 =	sadd.s32 @!p2 $0x440, s25;
	_ =	swait.ge @p2 [sflag:s0], $0x2000  }
0x12d: {  	s10 =	sadd.s32 @!p2 $0x800, s25;
	s2 =	sadd.s32 @!p2 $0x840, s25;
	[sflag:s0] =	ssyncset.done @p2 $0x0  }
0x12e: {  	s24 =	sadd.s32 @!p2 $0x40, s25;
	s19 =	ssub.s32 s16, s12;
	[sflag:s0] =	ssyncadd.s32 @p2 $0xFFFFE000  }
0x12f: {  	s16 =	ssub.s32 s29, s12;
	s6 =	simm.s32 @p2 $0x13E80;
	s8 =	rddreg [dreg:$0x3]  }
0x130: {  	[tilespmem:s6], [sflag:$0x1] =	stream.indirect.gather @p2 [spmem:s8], $0x80, s9, s18, $0xb8;
	[tilespmem:$0x17E80] =	vst v63  }
0x131: {  	s29 =	smov.u32 s5;
	s18 =	rddreg [dreg:$0x3];
	_ =	swait.ge @p2 [sflag:s0], $0x2000  }
0x132: {  	s5 =	smov.u32 s11;
	s11 =	ssub.s32 s17, s12;
	[sflag:s0] =	ssyncset.done @p2 $0x0  }
0x133: {  	s3 =	simm.s32 @!p2 $0x40;
	s7 =	simm.s32 @!p2 $0x9E80;
	[sflag:s0] =	ssyncadd.s32 @p2 $0xFFFFE000  }
0x134: {  	[tilespmem:s7], [sflag:$0x1] =	stream.indirect.gather @!p2 [spmem:s18], $0x80, s24, s3, $0xb8;
	[tilespmem:$0x17E80] =	vst v63  }
0x135: {  	s17 =	smov.u32 s20;
	s20 =	smulhi.u32 $0x4EC4EC4F, s20;
	s6 =	simm.s32 @!p2 $0xBE80  }
0x136: {  	[tilespmem:s6], [sflag:$0x1] =	stream.indirect.gather @!p2 [spmem:s18], $0x80, s23, s3, $0xb8;
	[tilespmem:$0x17E80] =	vst v63  }
0x137: {  	s4 =	sadd.s32 @!p2 $0xC00, s25;
	s25 =	sadd.s32 $0xC40, s25;
	s23 =	sshrl.u32 s20, $0x3  }
0x138: {  	s8 =	simm.s32 @!p2 $0xFE80;
	s13 =	sld [smem:$0x7E4];
	s24 =	smul.u32 $0x3400, s23  }
0x139: {  	s0 =	simm.s32 @!p2 $0xDE80;
	s9 =	rddreg [dreg:$0x2];
	s28 =	smul.u32 $0xD00, s23  }
0x13a: {  	[tilespmem:s0], [sflag:$0x1] =	stream.indirect.gather @!p2 [spmem:s18], $0x80, s1, s3, $0xb8;
	[tilespmem:$0x17E80] =	vst v63  }
0x13b: {  	s7 =	simm.s32 @!p2 $0x11E80;
	s6 =	rddreg [dreg:$0x16];
	s0 =	smul.u32 $0xFFF9A700, s23  }
0x13c: {  	[tilespmem:s8], [sflag:$0x1] =	stream.indirect.gather @!p2 [spmem:s18], $0x80, s10, s3, $0xb8;
	[tilespmem:$0x17E80] =	vst v63  }
0x13d: {  	s1 =	simm.s32 @!p2 $0x13E80;
	s0 =	sadd.s32 @!p0 s0, s13;
	s8 =	simm.s32 $0x40  }
0x13e: {  	[tilespmem:s7], [sflag:$0x1] =	stream.indirect.gather @!p2 [spmem:s18], $0x80, s2, s3, $0xb8;
	[tilespmem:$0x17E80] =	vst v63  }
0x13f: {  	s0 =	sadd.s32 @!p0 $0xFFFFC180, s0;
	s2 =	ssub.s32 s29, s24;
	s24 =	smov.u32 s14  }
0x140: {  	[tilespmem:s1], [sflag:$0x1] =	stream.indirect.gather @!p2 [spmem:s18], $0x80, s4, s3, $0xb8;
	[tilespmem:$0x17E80] =	vst v63  }
0x141: {  	s4 =	ssub.s32 s14, s28;
	s14 =	simm.s32 $0x15E80;
	s3 =	simm.s32 @!p0 $0x1C03  }
0x142: {  	[tilespmem:s14], [sflag:$0x1] =	stream.indirect.gather [spmem:s18], $0x80, s25, s8, $0xb8;
	[tilespmem:$0x17E80] =	vst v63  }
0x143: {  	[spmem:s6], [sflag:s3] =	dma.local @!p0 [hbm:s0], $0x3E80  }
0x144: {  	s0 =	sld [smem:$0x7E5];
	_ =	swait.ge [sflag:s22], $0x2000  }
0x145: {  	s1 =	smul.u32 $0x680000, s23;
	s23 =	sld [smem:$0x7E7]  }
0x146: {  	s28 =	sld [smem:$0x7E8];
	_ =	sdelay $0x1  }
0x147: {  	s6 =	ssub.s32 s9, s12;
	s9 =	sld [smem:$0x7E9];
	s8 =	ssub.s32 s23, s1  }
0x148: {  	[dreg:$0x1d] =	wrdreg s8;
	s8 =	ssub.s32 s28, s1  }
0x149: {  	[dreg:$0x1b] =	wrdreg s8  }
0x14a: {  	s21 =	ssub.s32 s21, s12;
	s8 =	ssub.s32 s9, s1;
	s9 =	sld [smem:$0x7EB]  }
0x14b: {  	s31 =	ssub.s32 s31, s12;
	s15 =	simm.s32 $0x7E80;
	s12 =	sld [smem:$0x7E6]  }
0x14c: {  	[sflag:s22] =	ssyncset.done $0x0;
	s3 =	ssub.s32 s0, s1;
	s0 =	rddreg [dreg:$0x15]  }
0x14d: {  	s10 =	rddreg [dreg:$0x1f];
	[sflag:s22] =	ssyncadd.s32 $0xFFFFE000;
	s0 =	sadd.s32 s9, s0  }
0x14e: {  	s7 =	ssub.s32 s12, s1;
	s12 =	sld [smem:$0x7EA];
	s23 =	sadd.s32 s6, s0  }
0x14f: {  	[hbm4b:s23+s30] =	stream.linear.scatter [tilespmem:s15], [sflag:$0x2], $0x2000, $0x38;
	[tilespmem:$0x17E80] =	vst v63  }
0x150: {  	s20 =	rddreg [dreg:$0x1e];
	_ =	swait.ge [sflag:s22], $0x2000  }
0x151: {  	s23 =	sadd.s32 s3, s0;
	s3 =	sld [smem:$0x7EC]  }
0x152: {  	s25 =	ssub.s32 s10, s1;
	s10 =	ssub.s32 s20, s1;
	s20 =	ssub.s32 s12, s1  }
0x153: {  	s1 =	simm.s32 $0x9E80;
	s28 =	sadd.s32 s7, s0;
	[sflag:s22] =	ssyncset.done $0x0  }
0x154: {  	[dreg:$0x1c] =	wrdreg s28;
	[sflag:s22] =	ssyncadd.s32 $0xFFFFE000;
	s7 =	sadd.s32 s3, s0  }
0x155: {  	[hbm4b:s7+s30] =	stream.linear.scatter [tilespmem:s1], [sflag:$0x2], $0x2000, $0x38;
	[tilespmem:$0x17E80] =	vst v63  }
0x156: {  	_ =	swait.ge [sflag:s22], $0x2000  }
0x157: {  	s12 =	sadd.s32 s20, s0;
	[sflag:s22] =	ssyncset.done $0x0  }
0x158: {  	s20 =	sadd.s32 s19, s0;
	s19 =	simm.s32 $0xBE80;
	[sflag:s22] =	ssyncadd.s32 $0xFFFFE000  }
0x159: {  	[hbm4b:s20+s30] =	stream.linear.scatter [tilespmem:s19], [sflag:$0x2], $0x2000, $0x38;
	[tilespmem:$0x17E80] =	vst v63  }
0x15a: {  	_ =	swait.ge [sflag:s22], $0x2000  }
0x15b: {  	[sflag:s22] =	ssyncset.done $0x0  }
0x15c: {  	s28 =	sadd.s32 s16, s0;
	s16 =	simm.s32 $0xDE80;
	[sflag:s22] =	ssyncadd.s32 $0xFFFFE000  }
0x15d: {  	[hbm4b:s28+s30] =	stream.linear.scatter [tilespmem:s16], [sflag:$0x2], $0x2000, $0x38;
	[tilespmem:$0x17E80] =	vst v63  }
0x15e: {  	_ =	swait.ge [sflag:s22], $0x2000  }
0x15f: {  	[sflag:s22] =	ssyncset.done $0x0  }
0x160: {  	s7 =	sadd.s32 s21, s0;
	s20 =	simm.s32 $0xFE80;
	[sflag:s22] =	ssyncadd.s32 $0xFFFFE000  }
0x161: {  	[hbm4b:s7+s30] =	stream.linear.scatter [tilespmem:s20], [sflag:$0x2], $0x2000, $0x38;
	[tilespmem:$0x17E80] =	vst v63  }
0x162: {  	_ =	swait.ge [sflag:s22], $0x2000  }
0x163: {  	[sflag:s22] =	ssyncset.done $0x0  }
0x164: {  	s6 =	sadd.s32 s31, s0;
	s28 =	simm.s32 $0x11E80;
	[sflag:s22] =	ssyncadd.s32 $0xFFFFE000  }
0x165: {  	[hbm4b:s6+s30] =	stream.linear.scatter [tilespmem:s28], [sflag:$0x2], $0x2000, $0x38;
	[tilespmem:$0x17E80] =	vst v63  }
0x166: {  	_ =	swait.ge [sflag:s22], $0x2000  }
0x167: {  	s21 =	sld [smem:$0x7ED];
	_ =	sdelay $0x1  }
0x168: {  	[sflag:s22] =	ssyncset.done $0x0  }
0x169: {  	s7 =	simm.s32 $0x13E80;
	[sflag:s22] =	ssyncadd.s32 $0xFFFFE000;
	s3 =	sadd.s32 s21, s0  }
0x16a: {  	[hbm4b:s3+s30] =	stream.linear.scatter [tilespmem:s7], [sflag:$0x2], $0x2000, $0x38;
	[tilespmem:$0x17E80] =	vst v63  }
0x16b: {  	_ =	swait.ge [sflag:s22], $0x2000  }
0x16c: {  	[sflag:s22] =	ssyncset.done $0x0  }
0x16d: {  	s6 =	sadd.s32 s11, s0;
	s3 =	simm.s32 @!p0 $0x3;
	[sflag:s22] =	ssyncadd.s32 $0xFFFFE000  }
0x16e: {  	[hbm4b:s6+s30] =	stream.linear.scatter [tilespmem:s14], [sflag:$0x2], $0x2000, $0x38;
	[tilespmem:$0x17E80] =	vst v63  }
0x16f: {  	s11 =	rddreg [dreg:$0x19];
	_ =	swait.ge @!p0 [sflag:s3], $0x3E80  }
0x170: {  	[sflag:s3] =	ssyncset.done @!p0 $0x0;
	s3 =	simm.s32 @!p0 $0x3  }
0x171: {  	[sflag:s3] =	ssyncadd.s32 @!p0 $0xFFFFC180  }
0x172: {  	s6 =	simm.s32 $0x2;
	[bflag:$0x0] =	sbarrier.arrive $0xFFFF  }
0x173: {  	s2 =	sand.u32 $0x3000, s2;
	_ =	swait.ge [sflag:s6], $0x2000  }
0x174: {  	s31 =	sadd.s32 s8, s0;
	s21 =	sand.u32 $0x380, s4;
	[sflag:s6] =	ssyncset.done $0x0  }
0x175: {  	s8 =	simm.s32 $0x40;
	s2 =	sor.u32 s21, s2;
	[sflag:s6] =	ssyncadd.s32 $0xFFFFE000  }
0x176: {  	[tilespmem:s15], [sflag:$0x1] =	stream.indirect.gather [spmem:s26], $0x80, s2, s8, $0xb8;
	[tilespmem:$0x17E80] =	vst v63  }
0x177: {  	_ =	swait.ge [sflag:s6], $0x2000  }
0x178: {  	[sflag:s6] =	ssyncset.done $0x0  }
0x179: {  	s3 =	sor.u32 $0x40, s2;
	[sflag:s6] =	ssyncadd.s32 $0xFFFFE000  }
0x17a: {  	[tilespmem:s1], [sflag:$0x1] =	stream.indirect.gather [spmem:s26], $0x80, s3, s8, $0xb8;
	[tilespmem:$0x17E80] =	vst v63  }
0x17b: {  	_ =	swait.ge [sflag:s6], $0x2000  }
0x17c: {  	[sflag:s6] =	ssyncset.done $0x0  }
0x17d: {  	s4 =	sor.u32 $0x400, s2;
	[sflag:s6] =	ssyncadd.s32 $0xFFFFE000  }
0x17e: {  	[tilespmem:s19], [sflag:$0x1] =	stream.indirect.gather [spmem:s26], $0x80, s4, s8, $0xb8;
	[tilespmem:$0x17E80] =	vst v63  }
0x17f: {  	_ =	swait.ge [sflag:s6], $0x2000  }
0x180: {  	[sflag:s6] =	ssyncset.done $0x0  }
0x181: {  	s21 =	sor.u32 $0x440, s2;
	[sflag:s6] =	ssyncadd.s32 $0xFFFFE000  }
0x182: {  	[tilespmem:s16], [sflag:$0x1] =	stream.indirect.gather [spmem:s26], $0x80, s21, s8, $0xb8;
	[tilespmem:$0x17E80] =	vst v63  }
0x183: {  	_ =	swait.ge [sflag:s6], $0x2000  }
0x184: {  	[sflag:s6] =	ssyncset.done $0x0  }
0x185: {  	s4 =	sor.u32 $0x800, s2;
	[sflag:s6] =	ssyncadd.s32 $0xFFFFE000  }
0x186: {  	[tilespmem:s20], [sflag:$0x1] =	stream.indirect.gather [spmem:s26], $0x80, s4, s8, $0xb8;
	[tilespmem:$0x17E80] =	vst v63  }
0x187: {  	_ =	swait.ge [sflag:s6], $0x2000  }
0x188: {  	[sflag:s6] =	ssyncset.done $0x0  }
0x189: {  	s3 =	smulhi.u32 $0x4EC4EC4F, s11;
	s21 =	sor.u32 $0x840, s2;
	[sflag:s6] =	ssyncadd.s32 $0xFFFFE000  }
0x18a: {  	[tilespmem:s28], [sflag:$0x1] =	stream.indirect.gather [spmem:s26], $0x80, s21, s8, $0xb8;
	[tilespmem:$0x17E80] =	vst v63  }
0x18b: {  	_ =	swait.ge [sflag:s6], $0x2000  }
0x18c: {  	p2 =	seq.s32 @!p0 s9, $0x600000;
	s3 =	sshrl.u32 s3, $0x3;
	[sflag:s6] =	ssyncset.done $0x0  }
0x18d: {  	s3 =	smul.u32 $0xFFF9A700, s3;
	s21 =	sor.u32 $0xC00, s2;
	[sflag:s6] =	ssyncadd.s32 $0xFFFFE000  }
0x18e: {  	[tilespmem:s7], [sflag:$0x1] =	stream.indirect.gather [spmem:s26], $0x80, s21, s8, $0xb8;
	[tilespmem:$0x17E80] =	vst v63  }
0x18f: {  	p2 =	por p2, p0;
	s14 =	simm.s32 $0x15E80;
	_ =	swait.ge [sflag:s6], $0x2000  }
0x190: {  	s3 =	sadd.s32 @!p2 s3, s13;
	s4 =	simm.s32 @!p2 $0x1C03;
	[sflag:s6] =	ssyncset.done $0x0  }
0x191: {  	s2 =	sor.u32 $0xC40, s2;
	[sflag:s6] =	ssyncadd.s32 $0xFFFFE000;
	s6 =	sshrl.u32 @!p2 s18, $0x3  }
0x192: {  	[tilespmem:s14], [sflag:$0x1] =	stream.indirect.gather [spmem:s26], $0x80, s2, s8, $0xb8;
	[tilespmem:$0x17E80] =	vst v63  }
0x193: {  	[spmem:s6], [sflag:s4] =	dma.local @!p2 [hbm:s3], $0x3E80  }
0x194: {  	s4 =	rddreg [dreg:$0x18]  }
0x195: {  	s3 =	rddreg [dreg:$0x17];
	_ =	swait.ge [sflag:s22], $0x2000  }
0x196: {  	[sflag:s22] =	ssyncset.done $0x0  }
0x197: {  	s6 =	sadd.s32 s25, s0;
	[sflag:s22] =	ssyncadd.s32 $0xFFFFE000  }
0x198: {  	[hbm4b:s6+s30] =	stream.linear.scatter [tilespmem:s15], [sflag:$0x2], $0x2000, $0x38;
	[tilespmem:$0x17E80] =	vst v63  }
0x199: {  	_ =	swait.ge [sflag:s22], $0x2000  }
0x19a: {  	[sflag:s22] =	ssyncset.done $0x0  }
0x19b: {  	s10 =	sadd.s32 s10, s0;
	[sflag:s22] =	ssyncadd.s32 $0xFFFFE000  }
0x19c: {  	[hbm4b:s10+s30] =	stream.linear.scatter [tilespmem:s1], [sflag:$0x2], $0x2000, $0x38;
	[tilespmem:$0x17E80] =	vst v63  }
0x19d: {  	_ =	swait.ge [sflag:s22], $0x2000  }
0x19e: {  	s21 =	smov.u32 s13;
	[sflag:s22] =	ssyncset.done $0x0;
	s13 =	rddreg [dreg:$0x1d]  }
0x19f: {  	[sflag:s22] =	ssyncadd.s32 $0xFFFFE000;
	s14 =	sadd.s32 s13, s0  }
0x1a0: {  	[hbm4b:s14+s30] =	stream.linear.scatter [tilespmem:s19], [sflag:$0x2], $0x2000, $0x38;
	[tilespmem:$0x17E80] =	vst v63  }
0x1a1: {  	_ =	swait.ge [sflag:s22], $0x2000  }
0x1a2: {  	[sflag:s22] =	ssyncset.done $0x0  }
0x1a3: {  	[sflag:s22] =	ssyncadd.s32 $0xFFFFE000  }
0x1a4: {  	[hbm4b:s23+s30] =	stream.linear.scatter [tilespmem:s16], [sflag:$0x2], $0x2000, $0x38;
	[tilespmem:$0x17E80] =	vst v63  }
0x1a5: {  	s29 =	sadd.s32 $0x400, s29;
	s9 =	simm.s32 $0x13E80;
	_ =	swait.ge [sflag:s22], $0x2000  }
0x1a6: {  	s11 =	sadd.s32 $0x2, s11;
	[sflag:s22] =	ssyncset.done $0x0;
	s19 =	rddreg [dreg:$0x1b]  }
0x1a7: {  	s7 =	simm.s32 $0x15E80;
	[sflag:s22] =	ssyncadd.s32 $0xFFFFE000;
	s0 =	sadd.s32 s19, s0  }
0x1a8: {  	[hbm4b:s0+s30] =	stream.linear.scatter [tilespmem:s20], [sflag:$0x2], $0x2000, $0x38;
	[tilespmem:$0x17E80] =	vst v63  }
.Ltmp0:
0x1a9: {  	s23 =	rddreg [dreg:$0x1a];
	_ =	swait.ge [sflag:s22], $0x2000;
	(pc) =	sbr.rel @p1 .LBB2_2-.Ltmp0, $4  }
0x1aa: {  	s3 =	sadd.s32 $0x100, s3;
	s4 =	sadd.s32 $0x400, s4;
	[sflag:s22] =	ssyncset.done $0x0  }
0x1ab: {  	s14 =	sadd.s32 $0x100, s24;
	s25 =	rddreg [dreg:$0x1c];
	[sflag:s22] =	ssyncadd.s32 $0xFFFFE000  }
0x1ac: {  	[hbm4b:s25+s30] =	stream.linear.scatter [tilespmem:s28], [sflag:$0x2], $0x2000, $0x38;
	[tilespmem:$0x17E80] =	vst v63  }
0x1ad: {  	s13 =	sadd.s32 $0x2, s23;
	s20 =	sadd.s32 $0x2, s17;
	_ =	swait.ge [sflag:s22], $0x2000  }
0x1ae: {  	[sflag:s22] =	ssyncset.done $0x0  }
0x1af: {  	s0 =	simm.s32 $0x0;
	[sflag:s22] =	ssyncadd.s32 $0xFFFFE000  }
0x1b0: {  	[hbm4b:s31+s0] =	stream.linear.scatter [tilespmem:s9], [sflag:$0x2], $0x2000, $0x38;
	[tilespmem:$0x17E80] =	vst v63  }
0x1b1: {  	_ =	swait.ge [sflag:s22], $0x2000  }
0x1b2: {  	[sflag:s22] =	ssyncset.done $0x0  }
0x1b3: {  	s1 =	simm.s32 $0x2;
	[sflag:s22] =	ssyncadd.s32 $0xFFFFE000  }
0x1b4: {  	[hbm4b:s12+s0] =	stream.linear.scatter [tilespmem:s7], [sflag:$0x2], $0x2000, $0x38;
	[tilespmem:$0x17E80] =	vst v63  }
0x1b5: {  	_ =	swait.ge [sflag:s1], $0x2000  }
0x1b6: {  	[sflag:s1] =	ssyncset.done $0x0  }
0x1b7: {  	[sflag:s1] =	ssyncadd.s32 $0xFFFFE000  }
0x1b8: {  	_ =	swait.ge [sflag:s1], $0x2000  }
0x1b9: {  	[sflag:s1] =	ssyncset.done $0x0  }
0x1ba: {  	[sflag:s1] =	ssyncadd.s32 $0xFFFFE000  }
0x1bb: {  	_ =	swait.ge [sflag:s1], $0x2000  }
0x1bc: {  	[sflag:s1] =	ssyncset.done $0x0  }
0x1bd: {  	[sflag:s1] =	ssyncadd.s32 $0xFFFFE000  }
0x1be: {  	_ =	swait.ge [sflag:s1], $0x2000  }
0x1bf: {  	[sflag:s1] =	ssyncset.done $0x0  }
0x1c0: {  	[sflag:s1] =	ssyncadd.s32 $0xFFFFE000  }
0x1c1: {  	_ =	swait.ge [sflag:s1], $0x2000  }
0x1c2: {  	[sflag:s1] =	ssyncset.done $0x0  }
0x1c3: {  	[sflag:s1] =	ssyncadd.s32 $0xFFFFE000  }
0x1c4: {  	_ =	swait.ge [sflag:s1], $0x2000  }
0x1c5: {  	[sflag:s1] =	ssyncset.done $0x0  }
0x1c6: {  	[sflag:s1] =	ssyncadd.s32 $0xFFFFE000  }
0x1c7: {  	_ =	swait.ge [sflag:s1], $0x2000  }
0x1c8: {  	[sflag:s1] =	ssyncset.done $0x0  }
0x1c9: {  	[sflag:s1] =	ssyncadd.s32 $0xFFFFE000  }
0x1ca: {  	_ =	swait.ge [sflag:s1], $0x2000  }
0x1cb: {  	s2 =	sld [smem:$0x7EE]  }
0x1cc: {  	s31 =	sld [smem:$0x7F7];
	_ =	sdelay $0x1  }
0x1cd: {  	s2 =	sadd.s32 $0x1, s2  }
0x1ce: {  	p1 =	sne.s32 s2, s31  }
.Ltmp1:
0x1cf: {  	_ = 	snop;
	(pc) =	sbr.rel @p1 .LBB2_1-.Ltmp1, $3  }
0x1d0: {  	_ =	sdelay $0x1  }
0x1d1: {  	[sflag:s1] =	ssyncset.done $0x0  }
0x1d2: {  	[sflag:s1] =	ssyncadd.s32 $0xFFFFE000  }
0x1d3: {  	_ =	sfence.sel $0x180000  }
0x1d4: {  	[bflag:$0x0] =	sbarrier.arrive $0xFFFF  }
0x1d5: {  	_ =	strace $0x90000047  }
0x1d6: {  	[bflag:$0x2] =	sbarrier.arrive $0xFFFF  }
0x1d7: {  	s0 =	rddreg [dreg:$0x5]  }
0x1d8: {  	s0 =	sadd.s32 @!p0 $0x100000, s0  }
0x1d9: {  	[sflag:s0] =	ssyncadd.tile.s32 @!p0 $0x1;
	_ =	shalt  }
.Lfunc_end2:
_tile_overlayer_lowered:
.L_overlay_start_2:
0x1da: {  	(tag) =	ssettag $0x2  }
0x1db: {  	s0 =	rddreg [dreg:$0x0];
	s2 =	stileid.u32  }
0x1dc: {  	s1 =	rddreg [dreg:$0x1];
	p0 =	sne.s32 s2, $0x0  }
0x1dd: {  	s3 =	rddreg [dreg:$0x2];
	[bflag:$0x3] =	sbarrier.arrive $0xFFFF;
	s2 =	simm.s32 @!p0 $0x1C04  }
0x1de: {  	[timem:s3], [sflag:s2] =	dma.local @!p0 [hbm:s0], s1  }
0x1df: {  	s0 =	simm.s32 @!p0 $0x4  }
0x1e0: {  	_ =	swait.ge @!p0 [sflag:s0], s1  }
0x1e1: {  	s1 =	ssub.s32 @!p0 $0x0, s1;
	[sflag:s0] =	ssyncset.done @!p0 $0x0  }
0x1e2: {  	[sflag:s0] =	ssyncadd.s32 @!p0 s1  }
0x1e3: {  	[bflag:$0x3] =	sbarrier.arrive $0xFFFF  }
0x1e4: {  	_ =	shalt  }

</sc_bundles>
